<compile_context>
chip_gen: v7x
topology: tpu7x:2x2x1
jax: 0.10.2.dev20260603
libtpu: 0.0.44.dev20260713+nightly
codegen_flags: <defaults>
</compile_context>

<pallas_src>
import jax
import jax.numpy as jnp
from jax import lax
from jax.experimental import pallas as pl
from jax.experimental.pallas import tpu as pltpu
from jax.experimental.pallas import tpu_sc as plsc

N = 10000
E = 320000
F = 128
HID = 128
C = 40

NC = 2
NS = 16
NW = NC * NS
CHUNK = 128
EPW = E // NW
KK = 80
KK2 = KK // 2
EPAD = NW * KK * CHUNK
ROWS_PT = 632
NPAD = ROWS_PT * NS


def _make_scatter_add(D):
    mesh = plsc.VectorSubcoreMesh(core_axis_name="c", subcore_axis_name="s")

    def body(table, src_idx, dst_idx, zeros_hbm, out, src_v, dst_v, rows0,
             rows1, acc, sem0, sem1):
        cid = lax.axis_index("c")
        sid = lax.axis_index("s")
        r0 = sid * ROWS_PT
        pltpu.sync_copy(zeros_hbm.at[pl.ds(r0, ROWS_PT)],
                        acc.at[pl.ds(r0, ROWS_PT)])
        plsc.subcore_barrier()

        for ph in range(2):
            pltpu.sync_copy(src_idx.at[cid, sid, pl.ds(ph * KK2, KK2)],
                            src_v)
            pltpu.sync_copy(dst_idx.at[cid, sid, pl.ds(ph * KK2, KK2)],
                            dst_v)
            pltpu.async_copy(table.at[src_v.at[0]], rows0, sem0)

            @pl.loop(0, KK2 - 2, step=2)
            def _pair(b):
                pltpu.async_copy(table.at[src_v.at[b + 1]], rows1, sem1)
                pltpu.make_async_copy(
                    table.at[src_v.at[b]], rows0, sem0).wait()
                pltpu.sync_copy(rows0, acc.at[dst_v.at[b]], add=True)
                pltpu.async_copy(table.at[src_v.at[b + 2]], rows0, sem0)
                pltpu.make_async_copy(
                    table.at[src_v.at[b + 1]], rows1, sem1).wait()
                pltpu.sync_copy(rows1, acc.at[dst_v.at[b + 1]], add=True)

            pltpu.async_copy(table.at[src_v.at[KK2 - 1]], rows1, sem1)
            pltpu.make_async_copy(
                table.at[src_v.at[KK2 - 2]], rows0, sem0).wait()
            pltpu.sync_copy(rows0, acc.at[dst_v.at[KK2 - 2]], add=True)
            pltpu.make_async_copy(
                table.at[src_v.at[KK2 - 1]], rows1, sem1).wait()
            pltpu.sync_copy(rows1, acc.at[dst_v.at[KK2 - 1]], add=True)

        plsc.subcore_barrier()
        pltpu.sync_copy(acc.at[pl.ds(r0, ROWS_PT)],
                        out.at[cid, pl.ds(r0, ROWS_PT)])

    return pl.kernel(
        body,
        out_type=jax.ShapeDtypeStruct((NC, NPAD, D), jnp.float32),
        mesh=mesh,
        scratch_types=[
            pltpu.VMEM((KK2, CHUNK), jnp.int32),
            pltpu.VMEM((KK2, CHUNK), jnp.int32),
            pltpu.VMEM((CHUNK, D), jnp.float32),
            pltpu.VMEM((CHUNK, D), jnp.float32),
            pltpu.VMEM_SHARED((NPAD, D), jnp.float32),
            pltpu.SemaphoreType.DMA,
            pltpu.SemaphoreType.DMA,
        ],
    )


_scatter = _make_scatter_add(F)

BM = 1000


def _mm1_body(x_ref, p_ref, w1_ref, b1_ref, h_ref):
    s = x_ref[...] + p_ref[0] + p_ref[1]
    h = jnp.dot(s, w1_ref[...], preferred_element_type=jnp.float32)
    h_ref[...] = jnp.maximum(h + b1_ref[...], 0.0)


_mm1 = pl.pallas_call(
    _mm1_body,
    grid=(N // BM,),
    in_specs=[
        pl.BlockSpec((BM, F), lambda i: (i, 0)),
        pl.BlockSpec((NC, BM, F), lambda i: (0, i, 0)),
        pl.BlockSpec((F, HID), lambda i: (0, 0)),
        pl.BlockSpec((1, HID), lambda i: (0, 0)),
    ],
    out_specs=pl.BlockSpec((BM, HID), lambda i: (i, 0)),
    out_shape=jax.ShapeDtypeStruct((N, HID), jnp.float32),
)


def _mm2_body(h_ref, q_ref, w2_ref, b2_ref, o_ref):
    s = h_ref[...] + q_ref[0] + q_ref[1]
    o = jnp.dot(s, w2_ref[...], preferred_element_type=jnp.float32)
    o_ref[...] = o + b2_ref[...]


_mm2 = pl.pallas_call(
    _mm2_body,
    grid=(N // BM,),
    in_specs=[
        pl.BlockSpec((BM, HID), lambda i: (i, 0)),
        pl.BlockSpec((NC, BM, HID), lambda i: (0, i, 0)),
        pl.BlockSpec((HID, C), lambda i: (0, 0)),
        pl.BlockSpec((1, C), lambda i: (0, 0)),
    ],
    out_specs=pl.BlockSpec((BM, C), lambda i: (i, 0)),
    out_shape=jax.ShapeDtypeStruct((N, C), jnp.float32),
)


def kernel(x, edge_index, W1, b1, W2, b2):
    src = edge_index[0].astype(jnp.int32)
    dst = edge_index[1].astype(jnp.int32)
    pad = EPAD - E
    src_p = jnp.concatenate(
        [src, jnp.zeros((pad,), jnp.int32)]).reshape(NC, NS, KK, CHUNK)
    dst_p = jnp.concatenate(
        [dst, jnp.full((pad,), N, jnp.int32)]).reshape(NC, NS, KK, CHUNK)
    zeros = jnp.zeros((NPAD, F), jnp.float32)

    p = _scatter(x, src_p, dst_p, zeros)
    h = _mm1(x, p, W1, b1.reshape(1, HID))
    q = _scatter(h, src_p, dst_p, zeros)
    return _mm2(h, q, W2, b2.reshape(1, C))

# --- scband reference (transcript-rebuilt; emitter-appended) ---
"""Pipeline reference for scband-train-net-12386685682456 (READ-ONLY COPY).

The authoritative reference and input builder live on the scoring server;
editing this copy changes nothing except your own understanding.
"""

import jax, jax.numpy as jnp
import numpy as np

N_NODES = 10000
N_EDGES = 320000
NFEAT = 128
NHID = 128
NCLASS = 40


def setup_inputs(seed: int = 0) -> dict:
    key = jax.random.key(seed)
    k1, k2, k3, k4, k5, k6 = jax.random.split(key, 6)
    x = jax.random.normal(k1, (N_NODES, NFEAT), dtype=jnp.float32)
    edge_index = jax.random.randint(k2, (2, N_EDGES), 0, N_NODES, dtype=jnp.int64)
    # Linear params (kaiming-uniform-ish init scale, faithful enough for numerics)
    W1 = jax.random.normal(k3, (NFEAT, NHID), dtype=jnp.float32) * (1.0 / np.sqrt(NFEAT))
    b1 = jax.random.normal(k4, (NHID,), dtype=jnp.float32) * 0.01
    W2 = jax.random.normal(k5, (NHID, NCLASS), dtype=jnp.float32) * (1.0 / np.sqrt(NHID))
    b2 = jax.random.normal(k6, (NCLASS,), dtype=jnp.float32) * 0.01
    return {"x": x, "edge_index": edge_index, "W1": W1, "b1": b1, "W2": W2, "b2": b2}


def _gin_conv(h, edge_index, W, b, eps=0.0):
    # PyG GINConv: out = nn((1 + eps) * x_i + sum_{j in N(i)} x_j)
    src = edge_index[0]
    dst = edge_index[1]
    agg = jnp.zeros_like(h).at[dst].add(h[src])  # scatter-add over dst nodes
    out = (1.0 + eps) * h + agg
    return out @ W + b


def reference(x, edge_index, W1, b1, W2, b2):
    h = _gin_conv(x, edge_index, W1, b1)
    h = jax.nn.relu(h)
    # dropout is identity in eval mode (training=False)
    out = _gin_conv(h, edge_index, W2, b2)
    return out

if __name__ == "__main__":
    import jax
    _d = setup_inputs()
    print(jax.jit(kernel)(*tuple(_d.values())))

</pallas_src>

<mosaic_0001>
#map = affine_map<(d0, d1) -> (0, 0)>
#map1 = affine_map<(d0, d1) -> (0, 0, 0, 0)>
#map2 = affine_map<(d0, d1) -> (0, 0, 0)>
module attributes {stable_mosaic.version = 14 : i64} {
  func.func @body(%arg0: i32, %arg1: i32, %arg2: memref<10000x128xf32, #tpu.memory_space<hbm>>, %arg3: memref<2x16x80x128xi32, #tpu.memory_space<hbm>>, %arg4: memref<2x16x80x128xi32, #tpu.memory_space<hbm>>, %arg5: memref<10112x128xf32, #tpu.memory_space<hbm>>, %arg6: memref<2x10112x128xf32, #tpu.memory_space<hbm>>, %arg7: memref<40x128xi32, #tpu.memory_space<vmem>>, %arg8: memref<40x128xi32, #tpu.memory_space<vmem>>, %arg9: memref<128x128xf32, #tpu.memory_space<vmem>>, %arg10: memref<128x128xf32, #tpu.memory_space<vmem>>, %arg11: memref<10112x128xf32, #tpu.memory_space<vmem_shared>>, %arg12: memref<!tpu.dma_semaphore, #tpu.memory_space<semaphore_mem>>, %arg13: memref<!tpu.dma_semaphore, #tpu.memory_space<semaphore_mem>>) attributes {dimension_semantics = [#tpu.dimension_semantics<core_parallel>, #tpu.dimension_semantics<subcore_parallel>], iteration_bounds = array<i64: 2, 16>, scalar_prefetch = 0 : i64, scratch_operands = 7 : i64, tpu.core_type = #tpu.core_type<sc_vector_subcore>, window_params = [{transform_indices = #map}, {transform_indices = #map1}, {transform_indices = #map1}, {transform_indices = #map}, {transform_indices = #map2}]} {
    %mul3A = arith.constant 632 : i32
    %mul3A_0 = arith.muli %arg1, %mul3A : i32
    "tpu.region"() ({
      %run_scoped3A_68 = tpu.sem_alloc : memref<!tpu.dma_semaphore, #tpu.memory_space<semaphore_mem>>
      %dma_start3A_69 = arith.constant 0 : i32
      %dma_start3A_70 = tpu.memref_slice %arg11[%mul3A_0, %dma_start3A_69] : memref<10112x128xf32, #tpu.memory_space<vmem_shared>> -> memref<632x128xf32, #tpu.memory_space<vmem_shared>>
      %dma_start3A_71 = arith.constant 0 : i32
      %dma_start3A_72 = tpu.memref_slice %arg5[%mul3A_0, %dma_start3A_71] : memref<10112x128xf32, #tpu.memory_space<hbm>> -> memref<632x128xf32, #tpu.memory_space<hbm>>
      tpu.enqueue_dma source(%dma_start3A_72 : memref<632x128xf32, #tpu.memory_space<hbm>>) target(%dma_start3A_70 : memref<632x128xf32, #tpu.memory_space<vmem_shared>>) target_semaphore(%run_scoped3A_68 : memref<!tpu.dma_semaphore, #tpu.memory_space<semaphore_mem>>)
      %dma_wait3A_73 = arith.constant 0 : i32
      %dma_wait3A_74 = tpu.memref_slice %arg11[%mul3A_0, %dma_wait3A_73] : memref<10112x128xf32, #tpu.memory_space<vmem_shared>> -> memref<632x128xf32, #tpu.memory_space<vmem_shared>>
      %dma_wait3A_75 = arith.constant 0 : i32
      %dma_wait3A_76 = tpu.memref_slice %arg5[%mul3A_0, %dma_wait3A_75] : memref<10112x128xf32, #tpu.memory_space<hbm>> -> memref<632x128xf32, #tpu.memory_space<hbm>>
      tpu.wait_dma2 semaphore(%run_scoped3A_68 : memref<!tpu.dma_semaphore, #tpu.memory_space<semaphore_mem>>) src(%dma_wait3A_76 : memref<632x128xf32, #tpu.memory_space<hbm>>) dst(%dma_wait3A_74 : memref<632x128xf32, #tpu.memory_space<vmem_shared>>)
      tpu.yield
    }) : () -> ()
    %barrier3A = arith.constant 0 : index
    tpu.barrier barrier_id(%barrier3A)
    "tpu.region"() ({
      %run_scoped3A_68 = tpu.sem_alloc : memref<!tpu.dma_semaphore, #tpu.memory_space<semaphore_mem>>
      %dma_start3A_69 = arith.constant 0 : i32
      %dma_start3A_70 = arith.constant 0 : i32
      %dma_start3A_71 = tpu.memref_slice %arg3[%arg0, %arg1, %dma_start3A_69, %dma_start3A_70] : memref<2x16x80x128xi32, #tpu.memory_space<hbm>> -> memref<1x1x40x128xi32, #tpu.memory_space<hbm>>
      %dma_start3A_72 = tpu.memref_squeeze %dma_start3A_71 : memref<1x1x40x128xi32, #tpu.memory_space<hbm>> -> memref<40x128xi32, #tpu.memory_space<hbm>>
      %dma_start3A_73 = arith.constant 0 : i32
      %dma_start3A_74 = arith.constant 0 : i32
      %dma_start3A_75 = tpu.memref_slice %arg3[%arg0, %arg1, %dma_start3A_73, %dma_start3A_74] : memref<2x16x80x128xi32, #tpu.memory_space<hbm>> -> memref<1x1x40x128xi32, #tpu.memory_space<hbm>>
      %dma_start3A_76 = tpu.memref_squeeze %dma_start3A_75 : memref<1x1x40x128xi32, #tpu.memory_space<hbm>> -> memref<40x128xi32, #tpu.memory_space<hbm>>
      tpu.enqueue_dma source(%dma_start3A_76 : memref<40x128xi32, #tpu.memory_space<hbm>>) target(%arg7 : memref<40x128xi32, #tpu.memory_space<vmem>>) target_semaphore(%run_scoped3A_68 : memref<!tpu.dma_semaphore, #tpu.memory_space<semaphore_mem>>)
      %dma_wait3A_77 = arith.constant 0 : i32
      %dma_wait3A_78 = arith.constant 0 : i32
      %dma_wait3A_79 = tpu.memref_slice %arg3[%arg0, %arg1, %dma_wait3A_77, %dma_wait3A_78] : memref<2x16x80x128xi32, #tpu.memory_space<hbm>> -> memref<1x1x40x128xi32, #tpu.memory_space<hbm>>
      %dma_wait3A_80 = tpu.memref_squeeze %dma_wait3A_79 : memref<1x1x40x128xi32, #tpu.memory_space<hbm>> -> memref<40x128xi32, #tpu.memory_space<hbm>>
      %dma_wait3A_81 = arith.constant 0 : i32
      %dma_wait3A_82 = arith.constant 0 : i32
      %dma_wait3A_83 = tpu.memref_slice %arg3[%arg0, %arg1, %dma_wait3A_81, %dma_wait3A_82] : memref<2x16x80x128xi32, #tpu.memory_space<hbm>> -> memref<1x1x40x128xi32, #tpu.memory_space<hbm>>
      %dma_wait3A_84 = tpu.memref_squeeze %dma_wait3A_83 : memref<1x1x40x128xi32, #tpu.memory_space<hbm>> -> memref<40x128xi32, #tpu.memory_space<hbm>>
      tpu.wait_dma2 semaphore(%run_scoped3A_68 : memref<!tpu.dma_semaphore, #tpu.memory_space<semaphore_mem>>) src(%dma_wait3A_84 : memref<40x128xi32, #tpu.memory_space<hbm>>) dst(%arg7 : memref<40x128xi32, #tpu.memory_space<vmem>>)
      tpu.yield
    }) : () -> ()
    "tpu.region"() ({
      %run_scoped3A_68 = tpu.sem_alloc : memref<!tpu.dma_semaphore, #tpu.memory_space<semaphore_mem>>
      %dma_start3A_69 = arith.constant 0 : i32
      %dma_start3A_70 = arith.constant 0 : i32
      %dma_start3A_71 = tpu.memref_slice %arg4[%arg0, %arg1, %dma_start3A_69, %dma_start3A_70] : memref<2x16x80x128xi32, #tpu.memory_space<hbm>> -> memref<1x1x40x128xi32, #tpu.memory_space<hbm>>
      %dma_start3A_72 = tpu.memref_squeeze %dma_start3A_71 : memref<1x1x40x128xi32, #tpu.memory_space<hbm>> -> memref<40x128xi32, #tpu.memory_space<hbm>>
      %dma_start3A_73 = arith.constant 0 : i32
      %dma_start3A_74 = arith.constant 0 : i32
      %dma_start3A_75 = tpu.memref_slice %arg4[%arg0, %arg1, %dma_start3A_73, %dma_start3A_74] : memref<2x16x80x128xi32, #tpu.memory_space<hbm>> -> memref<1x1x40x128xi32, #tpu.memory_space<hbm>>
      %dma_start3A_76 = tpu.memref_squeeze %dma_start3A_75 : memref<1x1x40x128xi32, #tpu.memory_space<hbm>> -> memref<40x128xi32, #tpu.memory_space<hbm>>
      tpu.enqueue_dma source(%dma_start3A_76 : memref<40x128xi32, #tpu.memory_space<hbm>>) target(%arg8 : memref<40x128xi32, #tpu.memory_space<vmem>>) target_semaphore(%run_scoped3A_68 : memref<!tpu.dma_semaphore, #tpu.memory_space<semaphore_mem>>)
      %dma_wait3A_77 = arith.constant 0 : i32
      %dma_wait3A_78 = arith.constant 0 : i32
      %dma_wait3A_79 = tpu.memref_slice %arg4[%arg0, %arg1, %dma_wait3A_77, %dma_wait3A_78] : memref<2x16x80x128xi32, #tpu.memory_space<hbm>> -> memref<1x1x40x128xi32, #tpu.memory_space<hbm>>
      %dma_wait3A_80 = tpu.memref_squeeze %dma_wait3A_79 : memref<1x1x40x128xi32, #tpu.memory_space<hbm>> -> memref<40x128xi32, #tpu.memory_space<hbm>>
      %dma_wait3A_81 = arith.constant 0 : i32
      %dma_wait3A_82 = arith.constant 0 : i32
      %dma_wait3A_83 = tpu.memref_slice %arg4[%arg0, %arg1, %dma_wait3A_81, %dma_wait3A_82] : memref<2x16x80x128xi32, #tpu.memory_space<hbm>> -> memref<1x1x40x128xi32, #tpu.memory_space<hbm>>
      %dma_wait3A_84 = tpu.memref_squeeze %dma_wait3A_83 : memref<1x1x40x128xi32, #tpu.memory_space<hbm>> -> memref<40x128xi32, #tpu.memory_space<hbm>>
      tpu.wait_dma2 semaphore(%run_scoped3A_68 : memref<!tpu.dma_semaphore, #tpu.memory_space<semaphore_mem>>) src(%dma_wait3A_84 : memref<40x128xi32, #tpu.memory_space<hbm>>) dst(%arg8 : memref<40x128xi32, #tpu.memory_space<vmem>>)
      tpu.yield
    }) : () -> ()
    %dma_start3A = arith.constant 0 : i32
    %dma_start3A_1 = arith.constant 0 : i32
    %dma_start3A_2 = tpu.memref_slice %arg7[%dma_start3A, %dma_start3A_1] : memref<40x128xi32, #tpu.memory_space<vmem>> -> memref<1x128xi32, #tpu.memory_space<vmem>>
    %dma_start3A_3 = tpu.memref_squeeze %dma_start3A_2 : memref<1x128xi32, #tpu.memory_space<vmem>> -> memref<128xi32, #tpu.memory_space<vmem>>
    %dma_start3A_4 = arith.constant 0 : i32
    %dma_start3A_5 = arith.constant 0 : i32
    %dma_start3A_6 = tpu.memref_slice %arg2[%dma_start3A_4, %dma_start3A_5] : memref<10000x128xf32, #tpu.memory_space<hbm>> -> memref<10000x128xf32, #tpu.memory_space<hbm>>
    tpu.enqueue_indirect_dma source(%dma_start3A_6 : memref<10000x128xf32, #tpu.memory_space<hbm>>) target(%arg9 : memref<128x128xf32, #tpu.memory_space<vmem>>) offsets(%dma_start3A_3 : memref<128xi32, #tpu.memory_space<vmem>>) semaphore(%arg12 : memref<!tpu.dma_semaphore, #tpu.memory_space<semaphore_mem>>)
    %scan3A = arith.constant 0 : i32
    %scan3A_7 = arith.constant 19 : i32
    %scan3A_8 = arith.addi %scan3A, %scan3A_7 : i32
    %scan3A_9 = arith.constant 1 : i32
    scf.for %scan3A_68 = %scan3A to %scan3A_8 step %scan3A_9  : i32 {
      %mul3A_69 = arith.constant 2 : i32
      %mul3A_70 = arith.muli %scan3A_68, %mul3A_69 : i32
      %add3A = arith.constant 0 : i32
      %add3A_71 = arith.addi %add3A, %mul3A_70 : i32
      %add3A_72 = arith.constant 1 : i32
      %add3A_73 = arith.addi %add3A_71, %add3A_72 : i32
      %dma_start3A_74 = arith.constant 0 : i32
      %dma_start3A_75 = tpu.memref_slice %arg7[%add3A_73, %dma_start3A_74] : memref<40x128xi32, #tpu.memory_space<vmem>> -> memref<1x128xi32, #tpu.memory_space<vmem>>
      %dma_start3A_76 = tpu.memref_squeeze %dma_start3A_75 : memref<1x128xi32, #tpu.memory_space<vmem>> -> memref<128xi32, #tpu.memory_space<vmem>>
      %dma_start3A_77 = arith.constant 0 : i32
      %dma_start3A_78 = arith.constant 0 : i32
      %dma_start3A_79 = tpu.memref_slice %arg2[%dma_start3A_77, %dma_start3A_78] : memref<10000x128xf32, #tpu.memory_space<hbm>> -> memref<10000x128xf32, #tpu.memory_space<hbm>>
      tpu.enqueue_indirect_dma source(%dma_start3A_79 : memref<10000x128xf32, #tpu.memory_space<hbm>>) target(%arg10 : memref<128x128xf32, #tpu.memory_space<vmem>>) offsets(%dma_start3A_76 : memref<128xi32, #tpu.memory_space<vmem>>) semaphore(%arg13 : memref<!tpu.dma_semaphore, #tpu.memory_space<semaphore_mem>>)
      %dma_wait3A_80 = arith.constant 0 : i32
      %dma_wait3A_81 = tpu.memref_slice %arg7[%add3A_71, %dma_wait3A_80] : memref<40x128xi32, #tpu.memory_space<vmem>> -> memref<1x128xi32, #tpu.memory_space<vmem>>
      %dma_wait3A_82 = tpu.memref_squeeze %dma_wait3A_81 : memref<1x128xi32, #tpu.memory_space<vmem>> -> memref<128xi32, #tpu.memory_space<vmem>>
      %dma_wait3A_83 = arith.constant 0 : i32
      %dma_wait3A_84 = arith.constant 0 : i32
      %dma_wait3A_85 = tpu.memref_slice %arg2[%dma_wait3A_83, %dma_wait3A_84] : memref<10000x128xf32, #tpu.memory_space<hbm>> -> memref<10000x128xf32, #tpu.memory_space<hbm>>
      tpu.wait_indirect_dma semaphore(%arg12 : memref<!tpu.dma_semaphore, #tpu.memory_space<semaphore_mem>>) src(%dma_wait3A_85 : memref<10000x128xf32, #tpu.memory_space<hbm>>) dst(%arg9 : memref<128x128xf32, #tpu.memory_space<vmem>>)
      "tpu.region"() ({
        %run_scoped3A_104 = tpu.sem_alloc : memref<!tpu.dma_semaphore, #tpu.memory_space<semaphore_mem>>
        %dma_start3A_105 = arith.constant 0 : i32
        %dma_start3A_106 = tpu.memref_slice %arg8[%add3A_71, %dma_start3A_105] : memref<40x128xi32, #tpu.memory_space<vmem>> -> memref<1x128xi32, #tpu.memory_space<vmem>>
        %dma_start3A_107 = tpu.memref_squeeze %dma_start3A_106 : memref<1x128xi32, #tpu.memory_space<vmem>> -> memref<128xi32, #tpu.memory_space<vmem>>
        %dma_start3A_108 = arith.constant 0 : i32
        %dma_start3A_109 = arith.constant 0 : i32
        %dma_start3A_110 = tpu.memref_slice %arg11[%dma_start3A_108, %dma_start3A_109] : memref<10112x128xf32, #tpu.memory_space<vmem_shared>> -> memref<10112x128xf32, #tpu.memory_space<vmem_shared>>
        tpu.enqueue_indirect_dma source(%arg9 : memref<128x128xf32, #tpu.memory_space<vmem>>) target(%dma_start3A_110 : memref<10112x128xf32, #tpu.memory_space<vmem_shared>>) offsets(%dma_start3A_107 : memref<128xi32, #tpu.memory_space<vmem>>) semaphore(%run_scoped3A_104 : memref<!tpu.dma_semaphore, #tpu.memory_space<semaphore_mem>>) {add = true}
        %dma_wait3A_111 = arith.constant 0 : i32
        %dma_wait3A_112 = tpu.memref_slice %arg8[%add3A_71, %dma_wait3A_111] : memref<40x128xi32, #tpu.memory_space<vmem>> -> memref<1x128xi32, #tpu.memory_space<vmem>>
        %dma_wait3A_113 = tpu.memref_squeeze %dma_wait3A_112 : memref<1x128xi32, #tpu.memory_space<vmem>> -> memref<128xi32, #tpu.memory_space<vmem>>
        %dma_wait3A_114 = arith.constant 0 : i32
        %dma_wait3A_115 = arith.constant 0 : i32
        %dma_wait3A_116 = tpu.memref_slice %arg11[%dma_wait3A_114, %dma_wait3A_115] : memref<10112x128xf32, #tpu.memory_space<vmem_shared>> -> memref<10112x128xf32, #tpu.memory_space<vmem_shared>>
        tpu.wait_indirect_dma semaphore(%run_scoped3A_104 : memref<!tpu.dma_semaphore, #tpu.memory_space<semaphore_mem>>) src(%arg9 : memref<128x128xf32, #tpu.memory_space<vmem>>) dst(%dma_wait3A_116 : memref<10112x128xf32, #tpu.memory_space<vmem_shared>>)
        tpu.yield
      }) : () -> ()
      %add3A_86 = arith.constant 2 : i32
      %add3A_87 = arith.addi %add3A_71, %add3A_86 : i32
      %dma_start3A_88 = arith.constant 0 : i32
      %dma_start3A_89 = tpu.memref_slice %arg7[%add3A_87, %dma_start3A_88] : memref<40x128xi32, #tpu.memory_space<vmem>> -> memref<1x128xi32, #tpu.memory_space<vmem>>
      %dma_start3A_90 = tpu.memref_squeeze %dma_start3A_89 : memref<1x128xi32, #tpu.memory_space<vmem>> -> memref<128xi32, #tpu.memory_space<vmem>>
      %dma_start3A_91 = arith.constant 0 : i32
      %dma_start3A_92 = arith.constant 0 : i32
      %dma_start3A_93 = tpu.memref_slice %arg2[%dma_start3A_91, %dma_start3A_92] : memref<10000x128xf32, #tpu.memory_space<hbm>> -> memref<10000x128xf32, #tpu.memory_space<hbm>>
      tpu.enqueue_indirect_dma source(%dma_start3A_93 : memref<10000x128xf32, #tpu.memory_space<hbm>>) target(%arg9 : memref<128x128xf32, #tpu.memory_space<vmem>>) offsets(%dma_start3A_90 : memref<128xi32, #tpu.memory_space<vmem>>) semaphore(%arg12 : memref<!tpu.dma_semaphore, #tpu.memory_space<semaphore_mem>>)
      %add3A_94 = arith.constant 1 : i32
      %add3A_95 = arith.addi %add3A_71, %add3A_94 : i32
      %dma_wait3A_96 = arith.constant 0 : i32
      %dma_wait3A_97 = tpu.memref_slice %arg7[%add3A_95, %dma_wait3A_96] : memref<40x128xi32, #tpu.memory_space<vmem>> -> memref<1x128xi32, #tpu.memory_space<vmem>>
      %dma_wait3A_98 = tpu.memref_squeeze %dma_wait3A_97 : memref<1x128xi32, #tpu.memory_space<vmem>> -> memref<128xi32, #tpu.memory_space<vmem>>
      %dma_wait3A_99 = arith.constant 0 : i32
      %dma_wait3A_100 = arith.constant 0 : i32
      %dma_wait3A_101 = tpu.memref_slice %arg2[%dma_wait3A_99, %dma_wait3A_100] : memref<10000x128xf32, #tpu.memory_space<hbm>> -> memref<10000x128xf32, #tpu.memory_space<hbm>>
      tpu.wait_indirect_dma semaphore(%arg13 : memref<!tpu.dma_semaphore, #tpu.memory_space<semaphore_mem>>) src(%dma_wait3A_101 : memref<10000x128xf32, #tpu.memory_space<hbm>>) dst(%arg10 : memref<128x128xf32, #tpu.memory_space<vmem>>)
      %add3A_102 = arith.constant 1 : i32
      %add3A_103 = arith.addi %add3A_71, %add3A_102 : i32
      "tpu.region"() ({
        %run_scoped3A_104 = tpu.sem_alloc : memref<!tpu.dma_semaphore, #tpu.memory_space<semaphore_mem>>
        %dma_start3A_105 = arith.constant 0 : i32
        %dma_start3A_106 = tpu.memref_slice %arg8[%add3A_103, %dma_start3A_105] : memref<40x128xi32, #tpu.memory_space<vmem>> -> memref<1x128xi32, #tpu.memory_space<vmem>>
        %dma_start3A_107 = tpu.memref_squeeze %dma_start3A_106 : memref<1x128xi32, #tpu.memory_space<vmem>> -> memref<128xi32, #tpu.memory_space<vmem>>
        %dma_start3A_108 = arith.constant 0 : i32
        %dma_start3A_109 = arith.constant 0 : i32
        %dma_start3A_110 = tpu.memref_slice %arg11[%dma_start3A_108, %dma_start3A_109] : memref<10112x128xf32, #tpu.memory_space<vmem_shared>> -> memref<10112x128xf32, #tpu.memory_space<vmem_shared>>
        tpu.enqueue_indirect_dma source(%arg10 : memref<128x128xf32, #tpu.memory_space<vmem>>) target(%dma_start3A_110 : memref<10112x128xf32, #tpu.memory_space<vmem_shared>>) offsets(%dma_start3A_107 : memref<128xi32, #tpu.memory_space<vmem>>) semaphore(%run_scoped3A_104 : memref<!tpu.dma_semaphore, #tpu.memory_space<semaphore_mem>>) {add = true}
        %dma_wait3A_111 = arith.constant 0 : i32
        %dma_wait3A_112 = tpu.memref_slice %arg8[%add3A_103, %dma_wait3A_111] : memref<40x128xi32, #tpu.memory_space<vmem>> -> memref<1x128xi32, #tpu.memory_space<vmem>>
        %dma_wait3A_113 = tpu.memref_squeeze %dma_wait3A_112 : memref<1x128xi32, #tpu.memory_space<vmem>> -> memref<128xi32, #tpu.memory_space<vmem>>
        %dma_wait3A_114 = arith.constant 0 : i32
        %dma_wait3A_115 = arith.constant 0 : i32
        %dma_wait3A_116 = tpu.memref_slice %arg11[%dma_wait3A_114, %dma_wait3A_115] : memref<10112x128xf32, #tpu.memory_space<vmem_shared>> -> memref<10112x128xf32, #tpu.memory_space<vmem_shared>>
        tpu.wait_indirect_dma semaphore(%run_scoped3A_104 : memref<!tpu.dma_semaphore, #tpu.memory_space<semaphore_mem>>) src(%arg10 : memref<128x128xf32, #tpu.memory_space<vmem>>) dst(%dma_wait3A_116 : memref<10112x128xf32, #tpu.memory_space<vmem_shared>>)
        tpu.yield
      }) : () -> ()
    }
    %scan3A_10 = arith.constant 19 : i32
    %dma_start3A_11 = arith.constant 39 : i32
    %dma_start3A_12 = arith.constant 0 : i32
    %dma_start3A_13 = tpu.memref_slice %arg7[%dma_start3A_11, %dma_start3A_12] : memref<40x128xi32, #tpu.memory_space<vmem>> -> memref<1x128xi32, #tpu.memory_space<vmem>>
    %dma_start3A_14 = tpu.memref_squeeze %dma_start3A_13 : memref<1x128xi32, #tpu.memory_space<vmem>> -> memref<128xi32, #tpu.memory_space<vmem>>
    %dma_start3A_15 = arith.constant 0 : i32
    %dma_start3A_16 = arith.constant 0 : i32
    %dma_start3A_17 = tpu.memref_slice %arg2[%dma_start3A_15, %dma_start3A_16] : memref<10000x128xf32, #tpu.memory_space<hbm>> -> memref<10000x128xf32, #tpu.memory_space<hbm>>
    tpu.enqueue_indirect_dma source(%dma_start3A_17 : memref<10000x128xf32, #tpu.memory_space<hbm>>) target(%arg10 : memref<128x128xf32, #tpu.memory_space<vmem>>) offsets(%dma_start3A_14 : memref<128xi32, #tpu.memory_space<vmem>>) semaphore(%arg13 : memref<!tpu.dma_semaphore, #tpu.memory_space<semaphore_mem>>)
    %dma_wait3A = arith.constant 38 : i32
    %dma_wait3A_18 = arith.constant 0 : i32
    %dma_wait3A_19 = tpu.memref_slice %arg7[%dma_wait3A, %dma_wait3A_18] : memref<40x128xi32, #tpu.memory_space<vmem>> -> memref<1x128xi32, #tpu.memory_space<vmem>>
    %dma_wait3A_20 = tpu.memref_squeeze %dma_wait3A_19 : memref<1x128xi32, #tpu.memory_space<vmem>> -> memref<128xi32, #tpu.memory_space<vmem>>
    %dma_wait3A_21 = arith.constant 0 : i32
    %dma_wait3A_22 = arith.constant 0 : i32
    %dma_wait3A_23 = tpu.memref_slice %arg2[%dma_wait3A_21, %dma_wait3A_22] : memref<10000x128xf32, #tpu.memory_space<hbm>> -> memref<10000x128xf32, #tpu.memory_space<hbm>>
    tpu.wait_indirect_dma semaphore(%arg12 : memref<!tpu.dma_semaphore, #tpu.memory_space<semaphore_mem>>) src(%dma_wait3A_23 : memref<10000x128xf32, #tpu.memory_space<hbm>>) dst(%arg9 : memref<128x128xf32, #tpu.memory_space<vmem>>)
    %run_scoped3A = arith.constant 38 : i32
    "tpu.region"() ({
      %run_scoped3A_68 = tpu.sem_alloc : memref<!tpu.dma_semaphore, #tpu.memory_space<semaphore_mem>>
      %dma_start3A_69 = arith.constant 0 : i32
      %dma_start3A_70 = tpu.memref_slice %arg8[%run_scoped3A, %dma_start3A_69] : memref<40x128xi32, #tpu.memory_space<vmem>> -> memref<1x128xi32, #tpu.memory_space<vmem>>
      %dma_start3A_71 = tpu.memref_squeeze %dma_start3A_70 : memref<1x128xi32, #tpu.memory_space<vmem>> -> memref<128xi32, #tpu.memory_space<vmem>>
      %dma_start3A_72 = arith.constant 0 : i32
      %dma_start3A_73 = arith.constant 0 : i32
      %dma_start3A_74 = tpu.memref_slice %arg11[%dma_start3A_72, %dma_start3A_73] : memref<10112x128xf32, #tpu.memory_space<vmem_shared>> -> memref<10112x128xf32, #tpu.memory_space<vmem_shared>>
      tpu.enqueue_indirect_dma source(%arg9 : memref<128x128xf32, #tpu.memory_space<vmem>>) target(%dma_start3A_74 : memref<10112x128xf32, #tpu.memory_space<vmem_shared>>) offsets(%dma_start3A_71 : memref<128xi32, #tpu.memory_space<vmem>>) semaphore(%run_scoped3A_68 : memref<!tpu.dma_semaphore, #tpu.memory_space<semaphore_mem>>) {add = true}
      %dma_wait3A_75 = arith.constant 0 : i32
      %dma_wait3A_76 = tpu.memref_slice %arg8[%run_scoped3A, %dma_wait3A_75] : memref<40x128xi32, #tpu.memory_space<vmem>> -> memref<1x128xi32, #tpu.memory_space<vmem>>
      %dma_wait3A_77 = tpu.memref_squeeze %dma_wait3A_76 : memref<1x128xi32, #tpu.memory_space<vmem>> -> memref<128xi32, #tpu.memory_space<vmem>>
      %dma_wait3A_78 = arith.constant 0 : i32
      %dma_wait3A_79 = arith.constant 0 : i32
      %dma_wait3A_80 = tpu.memref_slice %arg11[%dma_wait3A_78, %dma_wait3A_79] : memref<10112x128xf32, #tpu.memory_space<vmem_shared>> -> memref<10112x128xf32, #tpu.memory_space<vmem_shared>>
      tpu.wait_indirect_dma semaphore(%run_scoped3A_68 : memref<!tpu.dma_semaphore, #tpu.memory_space<semaphore_mem>>) src(%arg9 : memref<128x128xf32, #tpu.memory_space<vmem>>) dst(%dma_wait3A_80 : memref<10112x128xf32, #tpu.memory_space<vmem_shared>>)
      tpu.yield
    }) : () -> ()
    %dma_wait3A_24 = arith.constant 39 : i32
    %dma_wait3A_25 = arith.constant 0 : i32
    %dma_wait3A_26 = tpu.memref_slice %arg7[%dma_wait3A_24, %dma_wait3A_25] : memref<40x128xi32, #tpu.memory_space<vmem>> -> memref<1x128xi32, #tpu.memory_space<vmem>>
    %dma_wait3A_27 = tpu.memref_squeeze %dma_wait3A_26 : memref<1x128xi32, #tpu.memory_space<vmem>> -> memref<128xi32, #tpu.memory_space<vmem>>
    %dma_wait3A_28 = arith.constant 0 : i32
    %dma_wait3A_29 = arith.constant 0 : i32
    %dma_wait3A_30 = tpu.memref_slice %arg2[%dma_wait3A_28, %dma_wait3A_29] : memref<10000x128xf32, #tpu.memory_space<hbm>> -> memref<10000x128xf32, #tpu.memory_space<hbm>>
    tpu.wait_indirect_dma semaphore(%arg13 : memref<!tpu.dma_semaphore, #tpu.memory_space<semaphore_mem>>) src(%dma_wait3A_30 : memref<10000x128xf32, #tpu.memory_space<hbm>>) dst(%arg10 : memref<128x128xf32, #tpu.memory_space<vmem>>)
    %run_scoped3A_31 = arith.constant 39 : i32
    "tpu.region"() ({
      %run_scoped3A_68 = tpu.sem_alloc : memref<!tpu.dma_semaphore, #tpu.memory_space<semaphore_mem>>
      %dma_start3A_69 = arith.constant 0 : i32
      %dma_start3A_70 = tpu.memref_slice %arg8[%run_scoped3A_31, %dma_start3A_69] : memref<40x128xi32, #tpu.memory_space<vmem>> -> memref<1x128xi32, #tpu.memory_space<vmem>>
      %dma_start3A_71 = tpu.memref_squeeze %dma_start3A_70 : memref<1x128xi32, #tpu.memory_space<vmem>> -> memref<128xi32, #tpu.memory_space<vmem>>
      %dma_start3A_72 = arith.constant 0 : i32
      %dma_start3A_73 = arith.constant 0 : i32
      %dma_start3A_74 = tpu.memref_slice %arg11[%dma_start3A_72, %dma_start3A_73] : memref<10112x128xf32, #tpu.memory_space<vmem_shared>> -> memref<10112x128xf32, #tpu.memory_space<vmem_shared>>
      tpu.enqueue_indirect_dma source(%arg10 : memref<128x128xf32, #tpu.memory_space<vmem>>) target(%dma_start3A_74 : memref<10112x128xf32, #tpu.memory_space<vmem_shared>>) offsets(%dma_start3A_71 : memref<128xi32, #tpu.memory_space<vmem>>) semaphore(%run_scoped3A_68 : memref<!tpu.dma_semaphore, #tpu.memory_space<semaphore_mem>>) {add = true}
      %dma_wait3A_75 = arith.constant 0 : i32
      %dma_wait3A_76 = tpu.memref_slice %arg8[%run_scoped3A_31, %dma_wait3A_75] : memref<40x128xi32, #tpu.memory_space<vmem>> -> memref<1x128xi32, #tpu.memory_space<vmem>>
      %dma_wait3A_77 = tpu.memref_squeeze %dma_wait3A_76 : memref<1x128xi32, #tpu.memory_space<vmem>> -> memref<128xi32, #tpu.memory_space<vmem>>
      %dma_wait3A_78 = arith.constant 0 : i32
      %dma_wait3A_79 = arith.constant 0 : i32
      %dma_wait3A_80 = tpu.memref_slice %arg11[%dma_wait3A_78, %dma_wait3A_79] : memref<10112x128xf32, #tpu.memory_space<vmem_shared>> -> memref<10112x128xf32, #tpu.memory_space<vmem_shared>>
      tpu.wait_indirect_dma semaphore(%run_scoped3A_68 : memref<!tpu.dma_semaphore, #tpu.memory_space<semaphore_mem>>) src(%arg10 : memref<128x128xf32, #tpu.memory_space<vmem>>) dst(%dma_wait3A_80 : memref<10112x128xf32, #tpu.memory_space<vmem_shared>>)
      tpu.yield
    }) : () -> ()
    "tpu.region"() ({
      %run_scoped3A_68 = tpu.sem_alloc : memref<!tpu.dma_semaphore, #tpu.memory_space<semaphore_mem>>
      %dma_start3A_69 = arith.constant 40 : i32
      %dma_start3A_70 = arith.constant 0 : i32
      %dma_start3A_71 = tpu.memref_slice %arg3[%arg0, %arg1, %dma_start3A_69, %dma_start3A_70] : memref<2x16x80x128xi32, #tpu.memory_space<hbm>> -> memref<1x1x40x128xi32, #tpu.memory_space<hbm>>
      %dma_start3A_72 = tpu.memref_squeeze %dma_start3A_71 : memref<1x1x40x128xi32, #tpu.memory_space<hbm>> -> memref<40x128xi32, #tpu.memory_space<hbm>>
      %dma_start3A_73 = arith.constant 40 : i32
      %dma_start3A_74 = arith.constant 0 : i32
      %dma_start3A_75 = tpu.memref_slice %arg3[%arg0, %arg1, %dma_start3A_73, %dma_start3A_74] : memref<2x16x80x128xi32, #tpu.memory_space<hbm>> -> memref<1x1x40x128xi32, #tpu.memory_space<hbm>>
      %dma_start3A_76 = tpu.memref_squeeze %dma_start3A_75 : memref<1x1x40x128xi32, #tpu.memory_space<hbm>> -> memref<40x128xi32, #tpu.memory_space<hbm>>
      tpu.enqueue_dma source(%dma_start3A_76 : memref<40x128xi32, #tpu.memory_space<hbm>>) target(%arg7 : memref<40x128xi32, #tpu.memory_space<vmem>>) target_semaphore(%run_scoped3A_68 : memref<!tpu.dma_semaphore, #tpu.memory_space<semaphore_mem>>)
      %dma_wait3A_77 = arith.constant 40 : i32
      %dma_wait3A_78 = arith.constant 0 : i32
      %dma_wait3A_79 = tpu.memref_slice %arg3[%arg0, %arg1, %dma_wait3A_77, %dma_wait3A_78] : memref<2x16x80x128xi32, #tpu.memory_space<hbm>> -> memref<1x1x40x128xi32, #tpu.memory_space<hbm>>
      %dma_wait3A_80 = tpu.memref_squeeze %dma_wait3A_79 : memref<1x1x40x128xi32, #tpu.memory_space<hbm>> -> memref<40x128xi32, #tpu.memory_space<hbm>>
      %dma_wait3A_81 = arith.constant 40 : i32
      %dma_wait3A_82 = arith.constant 0 : i32
      %dma_wait3A_83 = tpu.memref_slice %arg3[%arg0, %arg1, %dma_wait3A_81, %dma_wait3A_82] : memref<2x16x80x128xi32, #tpu.memory_space<hbm>> -> memref<1x1x40x128xi32, #tpu.memory_space<hbm>>
      %dma_wait3A_84 = tpu.memref_squeeze %dma_wait3A_83 : memref<1x1x40x128xi32, #tpu.memory_space<hbm>> -> memref<40x128xi32, #tpu.memory_space<hbm>>
      tpu.wait_dma2 semaphore(%run_scoped3A_68 : memref<!tpu.dma_semaphore, #tpu.memory_space<semaphore_mem>>) src(%dma_wait3A_84 : memref<40x128xi32, #tpu.memory_space<hbm>>) dst(%arg7 : memref<40x128xi32, #tpu.memory_space<vmem>>)
      tpu.yield
    }) : () -> ()
    "tpu.region"() ({
      %run_scoped3A_68 = tpu.sem_alloc : memref<!tpu.dma_semaphore, #tpu.memory_space<semaphore_mem>>
      %dma_start3A_69 = arith.constant 40 : i32
      %dma_start3A_70 = arith.constant 0 : i32
      %dma_start3A_71 = tpu.memref_slice %arg4[%arg0, %arg1, %dma_start3A_69, %dma_start3A_70] : memref<2x16x80x128xi32, #tpu.memory_space<hbm>> -> memref<1x1x40x128xi32, #tpu.memory_space<hbm>>
      %dma_start3A_72 = tpu.memref_squeeze %dma_start3A_71 : memref<1x1x40x128xi32, #tpu.memory_space<hbm>> -> memref<40x128xi32, #tpu.memory_space<hbm>>
      %dma_start3A_73 = arith.constant 40 : i32
      %dma_start3A_74 = arith.constant 0 : i32
      %dma_start3A_75 = tpu.memref_slice %arg4[%arg0, %arg1, %dma_start3A_73, %dma_start3A_74] : memref<2x16x80x128xi32, #tpu.memory_space<hbm>> -> memref<1x1x40x128xi32, #tpu.memory_space<hbm>>
      %dma_start3A_76 = tpu.memref_squeeze %dma_start3A_75 : memref<1x1x40x128xi32, #tpu.memory_space<hbm>> -> memref<40x128xi32, #tpu.memory_space<hbm>>
      tpu.enqueue_dma source(%dma_start3A_76 : memref<40x128xi32, #tpu.memory_space<hbm>>) target(%arg8 : memref<40x128xi32, #tpu.memory_space<vmem>>) target_semaphore(%run_scoped3A_68 : memref<!tpu.dma_semaphore, #tpu.memory_space<semaphore_mem>>)
      %dma_wait3A_77 = arith.constant 40 : i32
      %dma_wait3A_78 = arith.constant 0 : i32
      %dma_wait3A_79 = tpu.memref_slice %arg4[%arg0, %arg1, %dma_wait3A_77, %dma_wait3A_78] : memref<2x16x80x128xi32, #tpu.memory_space<hbm>> -> memref<1x1x40x128xi32, #tpu.memory_space<hbm>>
      %dma_wait3A_80 = tpu.memref_squeeze %dma_wait3A_79 : memref<1x1x40x128xi32, #tpu.memory_space<hbm>> -> memref<40x128xi32, #tpu.memory_space<hbm>>
      %dma_wait3A_81 = arith.constant 40 : i32
      %dma_wait3A_82 = arith.constant 0 : i32
      %dma_wait3A_83 = tpu.memref_slice %arg4[%arg0, %arg1, %dma_wait3A_81, %dma_wait3A_82] : memref<2x16x80x128xi32, #tpu.memory_space<hbm>> -> memref<1x1x40x128xi32, #tpu.memory_space<hbm>>
      %dma_wait3A_84 = tpu.memref_squeeze %dma_wait3A_83 : memref<1x1x40x128xi32, #tpu.memory_space<hbm>> -> memref<40x128xi32, #tpu.memory_space<hbm>>
      tpu.wait_dma2 semaphore(%run_scoped3A_68 : memref<!tpu.dma_semaphore, #tpu.memory_space<semaphore_mem>>) src(%dma_wait3A_84 : memref<40x128xi32, #tpu.memory_space<hbm>>) dst(%arg8 : memref<40x128xi32, #tpu.memory_space<vmem>>)
      tpu.yield
    }) : () -> ()
    %dma_start3A_32 = arith.constant 0 : i32
    %dma_start3A_33 = arith.constant 0 : i32
    %dma_start3A_34 = tpu.memref_slice %arg7[%dma_start3A_32, %dma_start3A_33] : memref<40x128xi32, #tpu.memory_space<vmem>> -> memref<1x128xi32, #tpu.memory_space<vmem>>
    %dma_start3A_35 = tpu.memref_squeeze %dma_start3A_34 : memref<1x128xi32, #tpu.memory_space<vmem>> -> memref<128xi32, #tpu.memory_space<vmem>>
    %dma_start3A_36 = arith.constant 0 : i32
    %dma_start3A_37 = arith.constant 0 : i32
    %dma_start3A_38 = tpu.memref_slice %arg2[%dma_start3A_36, %dma_start3A_37] : memref<10000x128xf32, #tpu.memory_space<hbm>> -> memref<10000x128xf32, #tpu.memory_space<hbm>>
    tpu.enqueue_indirect_dma source(%dma_start3A_38 : memref<10000x128xf32, #tpu.memory_space<hbm>>) target(%arg9 : memref<128x128xf32, #tpu.memory_space<vmem>>) offsets(%dma_start3A_35 : memref<128xi32, #tpu.memory_space<vmem>>) semaphore(%arg12 : memref<!tpu.dma_semaphore, #tpu.memory_space<semaphore_mem>>)
    %scan3A_39 = arith.constant 0 : i32
    %scan3A_40 = arith.constant 19 : i32
    %scan3A_41 = arith.addi %scan3A_39, %scan3A_40 : i32
    %scan3A_42 = arith.constant 1 : i32
    scf.for %scan3A_68 = %scan3A_39 to %scan3A_41 step %scan3A_42  : i32 {
      %mul3A_69 = arith.constant 2 : i32
      %mul3A_70 = arith.muli %scan3A_68, %mul3A_69 : i32
      %add3A = arith.constant 0 : i32
      %add3A_71 = arith.addi %add3A, %mul3A_70 : i32
      %add3A_72 = arith.constant 1 : i32
      %add3A_73 = arith.addi %add3A_71, %add3A_72 : i32
      %dma_start3A_74 = arith.constant 0 : i32
      %dma_start3A_75 = tpu.memref_slice %arg7[%add3A_73, %dma_start3A_74] : memref<40x128xi32, #tpu.memory_space<vmem>> -> memref<1x128xi32, #tpu.memory_space<vmem>>
      %dma_start3A_76 = tpu.memref_squeeze %dma_start3A_75 : memref<1x128xi32, #tpu.memory_space<vmem>> -> memref<128xi32, #tpu.memory_space<vmem>>
      %dma_start3A_77 = arith.constant 0 : i32
      %dma_start3A_78 = arith.constant 0 : i32
      %dma_start3A_79 = tpu.memref_slice %arg2[%dma_start3A_77, %dma_start3A_78] : memref<10000x128xf32, #tpu.memory_space<hbm>> -> memref<10000x128xf32, #tpu.memory_space<hbm>>
      tpu.enqueue_indirect_dma source(%dma_start3A_79 : memref<10000x128xf32, #tpu.memory_space<hbm>>) target(%arg10 : memref<128x128xf32, #tpu.memory_space<vmem>>) offsets(%dma_start3A_76 : memref<128xi32, #tpu.memory_space<vmem>>) semaphore(%arg13 : memref<!tpu.dma_semaphore, #tpu.memory_space<semaphore_mem>>)
      %dma_wait3A_80 = arith.constant 0 : i32
      %dma_wait3A_81 = tpu.memref_slice %arg7[%add3A_71, %dma_wait3A_80] : memref<40x128xi32, #tpu.memory_space<vmem>> -> memref<1x128xi32, #tpu.memory_space<vmem>>
      %dma_wait3A_82 = tpu.memref_squeeze %dma_wait3A_81 : memref<1x128xi32, #tpu.memory_space<vmem>> -> memref<128xi32, #tpu.memory_space<vmem>>
      %dma_wait3A_83 = arith.constant 0 : i32
      %dma_wait3A_84 = arith.constant 0 : i32
      %dma_wait3A_85 = tpu.memref_slice %arg2[%dma_wait3A_83, %dma_wait3A_84] : memref<10000x128xf32, #tpu.memory_space<hbm>> -> memref<10000x128xf32, #tpu.memory_space<hbm>>
      tpu.wait_indirect_dma semaphore(%arg12 : memref<!tpu.dma_semaphore, #tpu.memory_space<semaphore_mem>>) src(%dma_wait3A_85 : memref<10000x128xf32, #tpu.memory_space<hbm>>) dst(%arg9 : memref<128x128xf32, #tpu.memory_space<vmem>>)
      "tpu.region"() ({
        %run_scoped3A_104 = tpu.sem_alloc : memref<!tpu.dma_semaphore, #tpu.memory_space<semaphore_mem>>
        %dma_start3A_105 = arith.constant 0 : i32
        %dma_start3A_106 = tpu.memref_slice %arg8[%add3A_71, %dma_start3A_105] : memref<40x128xi32, #tpu.memory_space<vmem>> -> memref<1x128xi32, #tpu.memory_space<vmem>>
        %dma_start3A_107 = tpu.memref_squeeze %dma_start3A_106 : memref<1x128xi32, #tpu.memory_space<vmem>> -> memref<128xi32, #tpu.memory_space<vmem>>
        %dma_start3A_108 = arith.constant 0 : i32
        %dma_start3A_109 = arith.constant 0 : i32
        %dma_start3A_110 = tpu.memref_slice %arg11[%dma_start3A_108, %dma_start3A_109] : memref<10112x128xf32, #tpu.memory_space<vmem_shared>> -> memref<10112x128xf32, #tpu.memory_space<vmem_shared>>
        tpu.enqueue_indirect_dma source(%arg9 : memref<128x128xf32, #tpu.memory_space<vmem>>) target(%dma_start3A_110 : memref<10112x128xf32, #tpu.memory_space<vmem_shared>>) offsets(%dma_start3A_107 : memref<128xi32, #tpu.memory_space<vmem>>) semaphore(%run_scoped3A_104 : memref<!tpu.dma_semaphore, #tpu.memory_space<semaphore_mem>>) {add = true}
        %dma_wait3A_111 = arith.constant 0 : i32
        %dma_wait3A_112 = tpu.memref_slice %arg8[%add3A_71, %dma_wait3A_111] : memref<40x128xi32, #tpu.memory_space<vmem>> -> memref<1x128xi32, #tpu.memory_space<vmem>>
        %dma_wait3A_113 = tpu.memref_squeeze %dma_wait3A_112 : memref<1x128xi32, #tpu.memory_space<vmem>> -> memref<128xi32, #tpu.memory_space<vmem>>
        %dma_wait3A_114 = arith.constant 0 : i32
        %dma_wait3A_115 = arith.constant 0 : i32
        %dma_wait3A_116 = tpu.memref_slice %arg11[%dma_wait3A_114, %dma_wait3A_115] : memref<10112x128xf32, #tpu.memory_space<vmem_shared>> -> memref<10112x128xf32, #tpu.memory_space<vmem_shared>>
        tpu.wait_indirect_dma semaphore(%run_scoped3A_104 : memref<!tpu.dma_semaphore, #tpu.memory_space<semaphore_mem>>) src(%arg9 : memref<128x128xf32, #tpu.memory_space<vmem>>) dst(%dma_wait3A_116 : memref<10112x128xf32, #tpu.memory_space<vmem_shared>>)
        tpu.yield
      }) : () -> ()
      %add3A_86 = arith.constant 2 : i32
      %add3A_87 = arith.addi %add3A_71, %add3A_86 : i32
      %dma_start3A_88 = arith.constant 0 : i32
      %dma_start3A_89 = tpu.memref_slice %arg7[%add3A_87, %dma_start3A_88] : memref<40x128xi32, #tpu.memory_space<vmem>> -> memref<1x128xi32, #tpu.memory_space<vmem>>
      %dma_start3A_90 = tpu.memref_squeeze %dma_start3A_89 : memref<1x128xi32, #tpu.memory_space<vmem>> -> memref<128xi32, #tpu.memory_space<vmem>>
      %dma_start3A_91 = arith.constant 0 : i32
      %dma_start3A_92 = arith.constant 0 : i32
      %dma_start3A_93 = tpu.memref_slice %arg2[%dma_start3A_91, %dma_start3A_92] : memref<10000x128xf32, #tpu.memory_space<hbm>> -> memref<10000x128xf32, #tpu.memory_space<hbm>>
      tpu.enqueue_indirect_dma source(%dma_start3A_93 : memref<10000x128xf32, #tpu.memory_space<hbm>>) target(%arg9 : memref<128x128xf32, #tpu.memory_space<vmem>>) offsets(%dma_start3A_90 : memref<128xi32, #tpu.memory_space<vmem>>) semaphore(%arg12 : memref<!tpu.dma_semaphore, #tpu.memory_space<semaphore_mem>>)
      %add3A_94 = arith.constant 1 : i32
      %add3A_95 = arith.addi %add3A_71, %add3A_94 : i32
      %dma_wait3A_96 = arith.constant 0 : i32
      %dma_wait3A_97 = tpu.memref_slice %arg7[%add3A_95, %dma_wait3A_96] : memref<40x128xi32, #tpu.memory_space<vmem>> -> memref<1x128xi32, #tpu.memory_space<vmem>>
      %dma_wait3A_98 = tpu.memref_squeeze %dma_wait3A_97 : memref<1x128xi32, #tpu.memory_space<vmem>> -> memref<128xi32, #tpu.memory_space<vmem>>
      %dma_wait3A_99 = arith.constant 0 : i32
      %dma_wait3A_100 = arith.constant 0 : i32
      %dma_wait3A_101 = tpu.memref_slice %arg2[%dma_wait3A_99, %dma_wait3A_100] : memref<10000x128xf32, #tpu.memory_space<hbm>> -> memref<10000x128xf32, #tpu.memory_space<hbm>>
      tpu.wait_indirect_dma semaphore(%arg13 : memref<!tpu.dma_semaphore, #tpu.memory_space<semaphore_mem>>) src(%dma_wait3A_101 : memref<10000x128xf32, #tpu.memory_space<hbm>>) dst(%arg10 : memref<128x128xf32, #tpu.memory_space<vmem>>)
      %add3A_102 = arith.constant 1 : i32
      %add3A_103 = arith.addi %add3A_71, %add3A_102 : i32
      "tpu.region"() ({
        %run_scoped3A_104 = tpu.sem_alloc : memref<!tpu.dma_semaphore, #tpu.memory_space<semaphore_mem>>
        %dma_start3A_105 = arith.constant 0 : i32
        %dma_start3A_106 = tpu.memref_slice %arg8[%add3A_103, %dma_start3A_105] : memref<40x128xi32, #tpu.memory_space<vmem>> -> memref<1x128xi32, #tpu.memory_space<vmem>>
        %dma_start3A_107 = tpu.memref_squeeze %dma_start3A_106 : memref<1x128xi32, #tpu.memory_space<vmem>> -> memref<128xi32, #tpu.memory_space<vmem>>
        %dma_start3A_108 = arith.constant 0 : i32
        %dma_start3A_109 = arith.constant 0 : i32
        %dma_start3A_110 = tpu.memref_slice %arg11[%dma_start3A_108, %dma_start3A_109] : memref<10112x128xf32, #tpu.memory_space<vmem_shared>> -> memref<10112x128xf32, #tpu.memory_space<vmem_shared>>
        tpu.enqueue_indirect_dma source(%arg10 : memref<128x128xf32, #tpu.memory_space<vmem>>) target(%dma_start3A_110 : memref<10112x128xf32, #tpu.memory_space<vmem_shared>>) offsets(%dma_start3A_107 : memref<128xi32, #tpu.memory_space<vmem>>) semaphore(%run_scoped3A_104 : memref<!tpu.dma_semaphore, #tpu.memory_space<semaphore_mem>>) {add = true}
        %dma_wait3A_111 = arith.constant 0 : i32
        %dma_wait3A_112 = tpu.memref_slice %arg8[%add3A_103, %dma_wait3A_111] : memref<40x128xi32, #tpu.memory_space<vmem>> -> memref<1x128xi32, #tpu.memory_space<vmem>>
        %dma_wait3A_113 = tpu.memref_squeeze %dma_wait3A_112 : memref<1x128xi32, #tpu.memory_space<vmem>> -> memref<128xi32, #tpu.memory_space<vmem>>
        %dma_wait3A_114 = arith.constant 0 : i32
        %dma_wait3A_115 = arith.constant 0 : i32
        %dma_wait3A_116 = tpu.memref_slice %arg11[%dma_wait3A_114, %dma_wait3A_115] : memref<10112x128xf32, #tpu.memory_space<vmem_shared>> -> memref<10112x128xf32, #tpu.memory_space<vmem_shared>>
        tpu.wait_indirect_dma semaphore(%run_scoped3A_104 : memref<!tpu.dma_semaphore, #tpu.memory_space<semaphore_mem>>) src(%arg10 : memref<128x128xf32, #tpu.memory_space<vmem>>) dst(%dma_wait3A_116 : memref<10112x128xf32, #tpu.memory_space<vmem_shared>>)
        tpu.yield
      }) : () -> ()
    }
    %scan3A_43 = arith.constant 19 : i32
    %dma_start3A_44 = arith.constant 39 : i32
    %dma_start3A_45 = arith.constant 0 : i32
    %dma_start3A_46 = tpu.memref_slice %arg7[%dma_start3A_44, %dma_start3A_45] : memref<40x128xi32, #tpu.memory_space<vmem>> -> memref<1x128xi32, #tpu.memory_space<vmem>>
    %dma_start3A_47 = tpu.memref_squeeze %dma_start3A_46 : memref<1x128xi32, #tpu.memory_space<vmem>> -> memref<128xi32, #tpu.memory_space<vmem>>
    %dma_start3A_48 = arith.constant 0 : i32
    %dma_start3A_49 = arith.constant 0 : i32
    %dma_start3A_50 = tpu.memref_slice %arg2[%dma_start3A_48, %dma_start3A_49] : memref<10000x128xf32, #tpu.memory_space<hbm>> -> memref<10000x128xf32, #tpu.memory_space<hbm>>
    tpu.enqueue_indirect_dma source(%dma_start3A_50 : memref<10000x128xf32, #tpu.memory_space<hbm>>) target(%arg10 : memref<128x128xf32, #tpu.memory_space<vmem>>) offsets(%dma_start3A_47 : memref<128xi32, #tpu.memory_space<vmem>>) semaphore(%arg13 : memref<!tpu.dma_semaphore, #tpu.memory_space<semaphore_mem>>)
    %dma_wait3A_51 = arith.constant 38 : i32
    %dma_wait3A_52 = arith.constant 0 : i32
    %dma_wait3A_53 = tpu.memref_slice %arg7[%dma_wait3A_51, %dma_wait3A_52] : memref<40x128xi32, #tpu.memory_space<vmem>> -> memref<1x128xi32, #tpu.memory_space<vmem>>
    %dma_wait3A_54 = tpu.memref_squeeze %dma_wait3A_53 : memref<1x128xi32, #tpu.memory_space<vmem>> -> memref<128xi32, #tpu.memory_space<vmem>>
    %dma_wait3A_55 = arith.constant 0 : i32
    %dma_wait3A_56 = arith.constant 0 : i32
    %dma_wait3A_57 = tpu.memref_slice %arg2[%dma_wait3A_55, %dma_wait3A_56] : memref<10000x128xf32, #tpu.memory_space<hbm>> -> memref<10000x128xf32, #tpu.memory_space<hbm>>
    tpu.wait_indirect_dma semaphore(%arg12 : memref<!tpu.dma_semaphore, #tpu.memory_space<semaphore_mem>>) src(%dma_wait3A_57 : memref<10000x128xf32, #tpu.memory_space<hbm>>) dst(%arg9 : memref<128x128xf32, #tpu.memory_space<vmem>>)
    %run_scoped3A_58 = arith.constant 38 : i32
    "tpu.region"() ({
      %run_scoped3A_68 = tpu.sem_alloc : memref<!tpu.dma_semaphore, #tpu.memory_space<semaphore_mem>>
      %dma_start3A_69 = arith.constant 0 : i32
      %dma_start3A_70 = tpu.memref_slice %arg8[%run_scoped3A_58, %dma_start3A_69] : memref<40x128xi32, #tpu.memory_space<vmem>> -> memref<1x128xi32, #tpu.memory_space<vmem>>
      %dma_start3A_71 = tpu.memref_squeeze %dma_start3A_70 : memref<1x128xi32, #tpu.memory_space<vmem>> -> memref<128xi32, #tpu.memory_space<vmem>>
      %dma_start3A_72 = arith.constant 0 : i32
      %dma_start3A_73 = arith.constant 0 : i32
      %dma_start3A_74 = tpu.memref_slice %arg11[%dma_start3A_72, %dma_start3A_73] : memref<10112x128xf32, #tpu.memory_space<vmem_shared>> -> memref<10112x128xf32, #tpu.memory_space<vmem_shared>>
      tpu.enqueue_indirect_dma source(%arg9 : memref<128x128xf32, #tpu.memory_space<vmem>>) target(%dma_start3A_74 : memref<10112x128xf32, #tpu.memory_space<vmem_shared>>) offsets(%dma_start3A_71 : memref<128xi32, #tpu.memory_space<vmem>>) semaphore(%run_scoped3A_68 : memref<!tpu.dma_semaphore, #tpu.memory_space<semaphore_mem>>) {add = true}
      %dma_wait3A_75 = arith.constant 0 : i32
      %dma_wait3A_76 = tpu.memref_slice %arg8[%run_scoped3A_58, %dma_wait3A_75] : memref<40x128xi32, #tpu.memory_space<vmem>> -> memref<1x128xi32, #tpu.memory_space<vmem>>
      %dma_wait3A_77 = tpu.memref_squeeze %dma_wait3A_76 : memref<1x128xi32, #tpu.memory_space<vmem>> -> memref<128xi32, #tpu.memory_space<vmem>>
      %dma_wait3A_78 = arith.constant 0 : i32
      %dma_wait3A_79 = arith.constant 0 : i32
      %dma_wait3A_80 = tpu.memref_slice %arg11[%dma_wait3A_78, %dma_wait3A_79] : memref<10112x128xf32, #tpu.memory_space<vmem_shared>> -> memref<10112x128xf32, #tpu.memory_space<vmem_shared>>
      tpu.wait_indirect_dma semaphore(%run_scoped3A_68 : memref<!tpu.dma_semaphore, #tpu.memory_space<semaphore_mem>>) src(%arg9 : memref<128x128xf32, #tpu.memory_space<vmem>>) dst(%dma_wait3A_80 : memref<10112x128xf32, #tpu.memory_space<vmem_shared>>)
      tpu.yield
    }) : () -> ()
    %dma_wait3A_59 = arith.constant 39 : i32
    %dma_wait3A_60 = arith.constant 0 : i32
    %dma_wait3A_61 = tpu.memref_slice %arg7[%dma_wait3A_59, %dma_wait3A_60] : memref<40x128xi32, #tpu.memory_space<vmem>> -> memref<1x128xi32, #tpu.memory_space<vmem>>
    %dma_wait3A_62 = tpu.memref_squeeze %dma_wait3A_61 : memref<1x128xi32, #tpu.memory_space<vmem>> -> memref<128xi32, #tpu.memory_space<vmem>>
    %dma_wait3A_63 = arith.constant 0 : i32
    %dma_wait3A_64 = arith.constant 0 : i32
    %dma_wait3A_65 = tpu.memref_slice %arg2[%dma_wait3A_63, %dma_wait3A_64] : memref<10000x128xf32, #tpu.memory_space<hbm>> -> memref<10000x128xf32, #tpu.memory_space<hbm>>
    tpu.wait_indirect_dma semaphore(%arg13 : memref<!tpu.dma_semaphore, #tpu.memory_space<semaphore_mem>>) src(%dma_wait3A_65 : memref<10000x128xf32, #tpu.memory_space<hbm>>) dst(%arg10 : memref<128x128xf32, #tpu.memory_space<vmem>>)
    %run_scoped3A_66 = arith.constant 39 : i32
    "tpu.region"() ({
      %run_scoped3A_68 = tpu.sem_alloc : memref<!tpu.dma_semaphore, #tpu.memory_space<semaphore_mem>>
      %dma_start3A_69 = arith.constant 0 : i32
      %dma_start3A_70 = tpu.memref_slice %arg8[%run_scoped3A_66, %dma_start3A_69] : memref<40x128xi32, #tpu.memory_space<vmem>> -> memref<1x128xi32, #tpu.memory_space<vmem>>
      %dma_start3A_71 = tpu.memref_squeeze %dma_start3A_70 : memref<1x128xi32, #tpu.memory_space<vmem>> -> memref<128xi32, #tpu.memory_space<vmem>>
      %dma_start3A_72 = arith.constant 0 : i32
      %dma_start3A_73 = arith.constant 0 : i32
      %dma_start3A_74 = tpu.memref_slice %arg11[%dma_start3A_72, %dma_start3A_73] : memref<10112x128xf32, #tpu.memory_space<vmem_shared>> -> memref<10112x128xf32, #tpu.memory_space<vmem_shared>>
      tpu.enqueue_indirect_dma source(%arg10 : memref<128x128xf32, #tpu.memory_space<vmem>>) target(%dma_start3A_74 : memref<10112x128xf32, #tpu.memory_space<vmem_shared>>) offsets(%dma_start3A_71 : memref<128xi32, #tpu.memory_space<vmem>>) semaphore(%run_scoped3A_68 : memref<!tpu.dma_semaphore, #tpu.memory_space<semaphore_mem>>) {add = true}
      %dma_wait3A_75 = arith.constant 0 : i32
      %dma_wait3A_76 = tpu.memref_slice %arg8[%run_scoped3A_66, %dma_wait3A_75] : memref<40x128xi32, #tpu.memory_space<vmem>> -> memref<1x128xi32, #tpu.memory_space<vmem>>
      %dma_wait3A_77 = tpu.memref_squeeze %dma_wait3A_76 : memref<1x128xi32, #tpu.memory_space<vmem>> -> memref<128xi32, #tpu.memory_space<vmem>>
      %dma_wait3A_78 = arith.constant 0 : i32
      %dma_wait3A_79 = arith.constant 0 : i32
      %dma_wait3A_80 = tpu.memref_slice %arg11[%dma_wait3A_78, %dma_wait3A_79] : memref<10112x128xf32, #tpu.memory_space<vmem_shared>> -> memref<10112x128xf32, #tpu.memory_space<vmem_shared>>
      tpu.wait_indirect_dma semaphore(%run_scoped3A_68 : memref<!tpu.dma_semaphore, #tpu.memory_space<semaphore_mem>>) src(%arg10 : memref<128x128xf32, #tpu.memory_space<vmem>>) dst(%dma_wait3A_80 : memref<10112x128xf32, #tpu.memory_space<vmem_shared>>)
      tpu.yield
    }) : () -> ()
    %barrier3A_67 = arith.constant 0 : index
    tpu.barrier barrier_id(%barrier3A_67)
    "tpu.region"() ({
      %run_scoped3A_68 = tpu.sem_alloc : memref<!tpu.dma_semaphore, #tpu.memory_space<semaphore_mem>>
      %dma_start3A_69 = arith.constant 0 : i32
      %dma_start3A_70 = tpu.memref_slice %arg6[%arg0, %mul3A_0, %dma_start3A_69] : memref<2x10112x128xf32, #tpu.memory_space<hbm>> -> memref<1x632x128xf32, #tpu.memory_space<hbm>>
      %dma_start3A_71 = tpu.memref_squeeze %dma_start3A_70 : memref<1x632x128xf32, #tpu.memory_space<hbm>> -> memref<632x128xf32, #tpu.memory_space<hbm>>
      %dma_start3A_72 = arith.constant 0 : i32
      %dma_start3A_73 = tpu.memref_slice %arg11[%mul3A_0, %dma_start3A_72] : memref<10112x128xf32, #tpu.memory_space<vmem_shared>> -> memref<632x128xf32, #tpu.memory_space<vmem_shared>>
      tpu.enqueue_dma source(%dma_start3A_73 : memref<632x128xf32, #tpu.memory_space<vmem_shared>>) target(%dma_start3A_71 : memref<632x128xf32, #tpu.memory_space<hbm>>) target_semaphore(%run_scoped3A_68 : memref<!tpu.dma_semaphore, #tpu.memory_space<semaphore_mem>>)
      %dma_wait3A_74 = arith.constant 0 : i32
      %dma_wait3A_75 = tpu.memref_slice %arg6[%arg0, %mul3A_0, %dma_wait3A_74] : memref<2x10112x128xf32, #tpu.memory_space<hbm>> -> memref<1x632x128xf32, #tpu.memory_space<hbm>>
      %dma_wait3A_76 = tpu.memref_squeeze %dma_wait3A_75 : memref<1x632x128xf32, #tpu.memory_space<hbm>> -> memref<632x128xf32, #tpu.memory_space<hbm>>
      %dma_wait3A_77 = arith.constant 0 : i32
      %dma_wait3A_78 = tpu.memref_slice %arg11[%mul3A_0, %dma_wait3A_77] : memref<10112x128xf32, #tpu.memory_space<vmem_shared>> -> memref<632x128xf32, #tpu.memory_space<vmem_shared>>
      tpu.wait_dma2 semaphore(%run_scoped3A_68 : memref<!tpu.dma_semaphore, #tpu.memory_space<semaphore_mem>>) src(%dma_wait3A_78 : memref<632x128xf32, #tpu.memory_space<vmem_shared>>) dst(%dma_wait3A_76 : memref<632x128xf32, #tpu.memory_space<hbm>>)
      tpu.yield
    }) : () -> ()
    return
  }
}

#map = affine_map<(d0, d1) -> (0, 0)>
#map1 = affine_map<(d0, d1) -> (0, 0, 0, 0)>
#map2 = affine_map<(d0, d1) -> (0, 0, 0)>
module attributes {stable_mosaic.version = 14 : i64} {
  func.func @body(%arg0: i32, %arg1: i32, %arg2: memref<10000x128xf32, #tpu.memory_space<hbm>>, %arg3: memref<2x16x80x128xi32, #tpu.memory_space<hbm>>, %arg4: memref<2x16x80x128xi32, #tpu.memory_space<hbm>>, %arg5: memref<10112x128xf32, #tpu.memory_space<hbm>>, %arg6: memref<2x10112x128xf32, #tpu.memory_space<hbm>>, %arg7: memref<40x128xi32, #tpu.memory_space<vmem>>, %arg8: memref<40x128xi32, #tpu.memory_space<vmem>>, %arg9: memref<128x128xf32, #tpu.memory_space<vmem>>, %arg10: memref<128x128xf32, #tpu.memory_space<vmem>>, %arg11: memref<10112x128xf32, #tpu.memory_space<vmem_shared>>, %arg12: memref<!tpu.dma_semaphore, #tpu.memory_space<semaphore_mem>>, %arg13: memref<!tpu.dma_semaphore, #tpu.memory_space<semaphore_mem>>) attributes {dimension_semantics = [#tpu.dimension_semantics<core_parallel>, #tpu.dimension_semantics<subcore_parallel>], iteration_bounds = array<i64: 2, 16>, scalar_prefetch = 0 : i64, scratch_operands = 7 : i64, tpu.core_type = #tpu.core_type<sc_vector_subcore>, window_params = [{transform_indices = #map}, {transform_indices = #map1}, {transform_indices = #map1}, {transform_indices = #map}, {transform_indices = #map2}]} {
    %mul3A = arith.constant 632 : i32
    %mul3A_0 = arith.muli %arg1, %mul3A : i32
    "tpu.region"() ({
      %run_scoped3A_68 = tpu.sem_alloc : memref<!tpu.dma_semaphore, #tpu.memory_space<semaphore_mem>>
      %dma_start3A_69 = arith.constant 0 : i32
      %dma_start3A_70 = tpu.memref_slice %arg11[%mul3A_0, %dma_start3A_69] : memref<10112x128xf32, #tpu.memory_space<vmem_shared>> -> memref<632x128xf32, #tpu.memory_space<vmem_shared>>
      %dma_start3A_71 = arith.constant 0 : i32
      %dma_start3A_72 = tpu.memref_slice %arg5[%mul3A_0, %dma_start3A_71] : memref<10112x128xf32, #tpu.memory_space<hbm>> -> memref<632x128xf32, #tpu.memory_space<hbm>>
      tpu.enqueue_dma source(%dma_start3A_72 : memref<632x128xf32, #tpu.memory_space<hbm>>) target(%dma_start3A_70 : memref<632x128xf32, #tpu.memory_space<vmem_shared>>) target_semaphore(%run_scoped3A_68 : memref<!tpu.dma_semaphore, #tpu.memory_space<semaphore_mem>>)
      %dma_wait3A_73 = arith.constant 0 : i32
      %dma_wait3A_74 = tpu.memref_slice %arg11[%mul3A_0, %dma_wait3A_73] : memref<10112x128xf32, #tpu.memory_space<vmem_shared>> -> memref<632x128xf32, #tpu.memory_space<vmem_shared>>
      %dma_wait3A_75 = arith.constant 0 : i32
      %dma_wait3A_76 = tpu.memref_slice %arg5[%mul3A_0, %dma_wait3A_75] : memref<10112x128xf32, #tpu.memory_space<hbm>> -> memref<632x128xf32, #tpu.memory_space<hbm>>
      tpu.wait_dma2 semaphore(%run_scoped3A_68 : memref<!tpu.dma_semaphore, #tpu.memory_space<semaphore_mem>>) src(%dma_wait3A_76 : memref<632x128xf32, #tpu.memory_space<hbm>>) dst(%dma_wait3A_74 : memref<632x128xf32, #tpu.memory_space<vmem_shared>>)
      tpu.yield
    }) : () -> ()
    %barrier3A = arith.constant 0 : index
    tpu.barrier barrier_id(%barrier3A)
    "tpu.region"() ({
      %run_scoped3A_68 = tpu.sem_alloc : memref<!tpu.dma_semaphore, #tpu.memory_space<semaphore_mem>>
      %dma_start3A_69 = arith.constant 0 : i32
      %dma_start3A_70 = arith.constant 0 : i32
      %dma_start3A_71 = tpu.memref_slice %arg3[%arg0, %arg1, %dma_start3A_69, %dma_start3A_70] : memref<2x16x80x128xi32, #tpu.memory_space<hbm>> -> memref<1x1x40x128xi32, #tpu.memory_space<hbm>>
      %dma_start3A_72 = tpu.memref_squeeze %dma_start3A_71 : memref<1x1x40x128xi32, #tpu.memory_space<hbm>> -> memref<40x128xi32, #tpu.memory_space<hbm>>
      %dma_start3A_73 = arith.constant 0 : i32
      %dma_start3A_74 = arith.constant 0 : i32
      %dma_start3A_75 = tpu.memref_slice %arg3[%arg0, %arg1, %dma_start3A_73, %dma_start3A_74] : memref<2x16x80x128xi32, #tpu.memory_space<hbm>> -> memref<1x1x40x128xi32, #tpu.memory_space<hbm>>
      %dma_start3A_76 = tpu.memref_squeeze %dma_start3A_75 : memref<1x1x40x128xi32, #tpu.memory_space<hbm>> -> memref<40x128xi32, #tpu.memory_space<hbm>>
      tpu.enqueue_dma source(%dma_start3A_76 : memref<40x128xi32, #tpu.memory_space<hbm>>) target(%arg7 : memref<40x128xi32, #tpu.memory_space<vmem>>) target_semaphore(%run_scoped3A_68 : memref<!tpu.dma_semaphore, #tpu.memory_space<semaphore_mem>>)
      %dma_wait3A_77 = arith.constant 0 : i32
      %dma_wait3A_78 = arith.constant 0 : i32
      %dma_wait3A_79 = tpu.memref_slice %arg3[%arg0, %arg1, %dma_wait3A_77, %dma_wait3A_78] : memref<2x16x80x128xi32, #tpu.memory_space<hbm>> -> memref<1x1x40x128xi32, #tpu.memory_space<hbm>>
      %dma_wait3A_80 = tpu.memref_squeeze %dma_wait3A_79 : memref<1x1x40x128xi32, #tpu.memory_space<hbm>> -> memref<40x128xi32, #tpu.memory_space<hbm>>
      %dma_wait3A_81 = arith.constant 0 : i32
      %dma_wait3A_82 = arith.constant 0 : i32
      %dma_wait3A_83 = tpu.memref_slice %arg3[%arg0, %arg1, %dma_wait3A_81, %dma_wait3A_82] : memref<2x16x80x128xi32, #tpu.memory_space<hbm>> -> memref<1x1x40x128xi32, #tpu.memory_space<hbm>>
      %dma_wait3A_84 = tpu.memref_squeeze %dma_wait3A_83 : memref<1x1x40x128xi32, #tpu.memory_space<hbm>> -> memref<40x128xi32, #tpu.memory_space<hbm>>
      tpu.wait_dma2 semaphore(%run_scoped3A_68 : memref<!tpu.dma_semaphore, #tpu.memory_space<semaphore_mem>>) src(%dma_wait3A_84 : memref<40x128xi32, #tpu.memory_space<hbm>>) dst(%arg7 : memref<40x128xi32, #tpu.memory_space<vmem>>)
      tpu.yield
    }) : () -> ()
    "tpu.region"() ({
      %run_scoped3A_68 = tpu.sem_alloc : memref<!tpu.dma_semaphore, #tpu.memory_space<semaphore_mem>>
      %dma_start3A_69 = arith.constant 0 : i32
      %dma_start3A_70 = arith.constant 0 : i32
      %dma_start3A_71 = tpu.memref_slice %arg4[%arg0, %arg1, %dma_start3A_69, %dma_start3A_70] : memref<2x16x80x128xi32, #tpu.memory_space<hbm>> -> memref<1x1x40x128xi32, #tpu.memory_space<hbm>>
      %dma_start3A_72 = tpu.memref_squeeze %dma_start3A_71 : memref<1x1x40x128xi32, #tpu.memory_space<hbm>> -> memref<40x128xi32, #tpu.memory_space<hbm>>
      %dma_start3A_73 = arith.constant 0 : i32
      %dma_start3A_74 = arith.constant 0 : i32
      %dma_start3A_75 = tpu.memref_slice %arg4[%arg0, %arg1, %dma_start3A_73, %dma_start3A_74] : memref<2x16x80x128xi32, #tpu.memory_space<hbm>> -> memref<1x1x40x128xi32, #tpu.memory_space<hbm>>
      %dma_start3A_76 = tpu.memref_squeeze %dma_start3A_75 : memref<1x1x40x128xi32, #tpu.memory_space<hbm>> -> memref<40x128xi32, #tpu.memory_space<hbm>>
      tpu.enqueue_dma source(%dma_start3A_76 : memref<40x128xi32, #tpu.memory_space<hbm>>) target(%arg8 : memref<40x128xi32, #tpu.memory_space<vmem>>) target_semaphore(%run_scoped3A_68 : memref<!tpu.dma_semaphore, #tpu.memory_space<semaphore_mem>>)
      %dma_wait3A_77 = arith.constant 0 : i32
      %dma_wait3A_78 = arith.constant 0 : i32
      %dma_wait3A_79 = tpu.memref_slice %arg4[%arg0, %arg1, %dma_wait3A_77, %dma_wait3A_78] : memref<2x16x80x128xi32, #tpu.memory_space<hbm>> -> memref<1x1x40x128xi32, #tpu.memory_space<hbm>>
      %dma_wait3A_80 = tpu.memref_squeeze %dma_wait3A_79 : memref<1x1x40x128xi32, #tpu.memory_space<hbm>> -> memref<40x128xi32, #tpu.memory_space<hbm>>
      %dma_wait3A_81 = arith.constant 0 : i32
      %dma_wait3A_82 = arith.constant 0 : i32
      %dma_wait3A_83 = tpu.memref_slice %arg4[%arg0, %arg1, %dma_wait3A_81, %dma_wait3A_82] : memref<2x16x80x128xi32, #tpu.memory_space<hbm>> -> memref<1x1x40x128xi32, #tpu.memory_space<hbm>>
      %dma_wait3A_84 = tpu.memref_squeeze %dma_wait3A_83 : memref<1x1x40x128xi32, #tpu.memory_space<hbm>> -> memref<40x128xi32, #tpu.memory_space<hbm>>
      tpu.wait_dma2 semaphore(%run_scoped3A_68 : memref<!tpu.dma_semaphore, #tpu.memory_space<semaphore_mem>>) src(%dma_wait3A_84 : memref<40x128xi32, #tpu.memory_space<hbm>>) dst(%arg8 : memref<40x128xi32, #tpu.memory_space<vmem>>)
      tpu.yield
    }) : () -> ()
    %dma_start3A = arith.constant 0 : i32
    %dma_start3A_1 = arith.constant 0 : i32
    %dma_start3A_2 = tpu.memref_slice %arg7[%dma_start3A, %dma_start3A_1] : memref<40x128xi32, #tpu.memory_space<vmem>> -> memref<1x128xi32, #tpu.memory_space<vmem>>
    %dma_start3A_3 = tpu.memref_squeeze %dma_start3A_2 : memref<1x128xi32, #tpu.memory_space<vmem>> -> memref<128xi32, #tpu.memory_space<vmem>>
    %dma_start3A_4 = arith.constant 0 : i32
    %dma_start3A_5 = arith.constant 0 : i32
    %dma_start3A_6 = tpu.memref_slice %arg2[%dma_start3A_4, %dma_start3A_5] : memref<10000x128xf32, #tpu.memory_space<hbm>> -> memref<10000x128xf32, #tpu.memory_space<hbm>>
    tpu.enqueue_indirect_dma source(%dma_start3A_6 : memref<10000x128xf32, #tpu.memory_space<hbm>>) target(%arg9 : memref<128x128xf32, #tpu.memory_space<vmem>>) offsets(%dma_start3A_3 : memref<128xi32, #tpu.memory_space<vmem>>) semaphore(%arg12 : memref<!tpu.dma_semaphore, #tpu.memory_space<semaphore_mem>>)
    %scan3A = arith.constant 0 : i32
    %scan3A_7 = arith.constant 19 : i32
    %scan3A_8 = arith.addi %scan3A, %scan3A_7 : i32
    %scan3A_9 = arith.constant 1 : i32
    scf.for %scan3A_68 = %scan3A to %scan3A_8 step %scan3A_9  : i32 {
      %mul3A_69 = arith.constant 2 : i32
      %mul3A_70 = arith.muli %scan3A_68, %mul3A_69 : i32
      %add3A = arith.constant 0 : i32
      %add3A_71 = arith.addi %add3A, %mul3A_70 : i32
      %add3A_72 = arith.constant 1 : i32
      %add3A_73 = arith.addi %add3A_71, %add3A_72 : i32
      %dma_start3A_74 = arith.constant 0 : i32
      %dma_start3A_75 = tpu.memref_slice %arg7[%add3A_73, %dma_start3A_74] : memref<40x128xi32, #tpu.memory_space<vmem>> -> memref<1x128xi32, #tpu.memory_space<vmem>>
      %dma_start3A_76 = tpu.memref_squeeze %dma_start3A_75 : memref<1x128xi32, #tpu.memory_space<vmem>> -> memref<128xi32, #tpu.memory_space<vmem>>
      %dma_start3A_77 = arith.constant 0 : i32
      %dma_start3A_78 = arith.constant 0 : i32
      %dma_start3A_79 = tpu.memref_slice %arg2[%dma_start3A_77, %dma_start3A_78] : memref<10000x128xf32, #tpu.memory_space<hbm>> -> memref<10000x128xf32, #tpu.memory_space<hbm>>
      tpu.enqueue_indirect_dma source(%dma_start3A_79 : memref<10000x128xf32, #tpu.memory_space<hbm>>) target(%arg10 : memref<128x128xf32, #tpu.memory_space<vmem>>) offsets(%dma_start3A_76 : memref<128xi32, #tpu.memory_space<vmem>>) semaphore(%arg13 : memref<!tpu.dma_semaphore, #tpu.memory_space<semaphore_mem>>)
      %dma_wait3A_80 = arith.constant 0 : i32
      %dma_wait3A_81 = tpu.memref_slice %arg7[%add3A_71, %dma_wait3A_80] : memref<40x128xi32, #tpu.memory_space<vmem>> -> memref<1x128xi32, #tpu.memory_space<vmem>>
      %dma_wait3A_82 = tpu.memref_squeeze %dma_wait3A_81 : memref<1x128xi32, #tpu.memory_space<vmem>> -> memref<128xi32, #tpu.memory_space<vmem>>
      %dma_wait3A_83 = arith.constant 0 : i32
      %dma_wait3A_84 = arith.constant 0 : i32
      %dma_wait3A_85 = tpu.memref_slice %arg2[%dma_wait3A_83, %dma_wait3A_84] : memref<10000x128xf32, #tpu.memory_space<hbm>> -> memref<10000x128xf32, #tpu.memory_space<hbm>>
      tpu.wait_indirect_dma semaphore(%arg12 : memref<!tpu.dma_semaphore, #tpu.memory_space<semaphore_mem>>) src(%dma_wait3A_85 : memref<10000x128xf32, #tpu.memory_space<hbm>>) dst(%arg9 : memref<128x128xf32, #tpu.memory_space<vmem>>)
      "tpu.region"() ({
        %run_scoped3A_104 = tpu.sem_alloc : memref<!tpu.dma_semaphore, #tpu.memory_space<semaphore_mem>>
        %dma_start3A_105 = arith.constant 0 : i32
        %dma_start3A_106 = tpu.memref_slice %arg8[%add3A_71, %dma_start3A_105] : memref<40x128xi32, #tpu.memory_space<vmem>> -> memref<1x128xi32, #tpu.memory_space<vmem>>
        %dma_start3A_107 = tpu.memref_squeeze %dma_start3A_106 : memref<1x128xi32, #tpu.memory_space<vmem>> -> memref<128xi32, #tpu.memory_space<vmem>>
        %dma_start3A_108 = arith.constant 0 : i32
        %dma_start3A_109 = arith.constant 0 : i32
        %dma_start3A_110 = tpu.memref_slice %arg11[%dma_start3A_108, %dma_start3A_109] : memref<10112x128xf32, #tpu.memory_space<vmem_shared>> -> memref<10112x128xf32, #tpu.memory_space<vmem_shared>>
        tpu.enqueue_indirect_dma source(%arg9 : memref<128x128xf32, #tpu.memory_space<vmem>>) target(%dma_start3A_110 : memref<10112x128xf32, #tpu.memory_space<vmem_shared>>) offsets(%dma_start3A_107 : memref<128xi32, #tpu.memory_space<vmem>>) semaphore(%run_scoped3A_104 : memref<!tpu.dma_semaphore, #tpu.memory_space<semaphore_mem>>) {add = true}
        %dma_wait3A_111 = arith.constant 0 : i32
        %dma_wait3A_112 = tpu.memref_slice %arg8[%add3A_71, %dma_wait3A_111] : memref<40x128xi32, #tpu.memory_space<vmem>> -> memref<1x128xi32, #tpu.memory_space<vmem>>
        %dma_wait3A_113 = tpu.memref_squeeze %dma_wait3A_112 : memref<1x128xi32, #tpu.memory_space<vmem>> -> memref<128xi32, #tpu.memory_space<vmem>>
        %dma_wait3A_114 = arith.constant 0 : i32
        %dma_wait3A_115 = arith.constant 0 : i32
        %dma_wait3A_116 = tpu.memref_slice %arg11[%dma_wait3A_114, %dma_wait3A_115] : memref<10112x128xf32, #tpu.memory_space<vmem_shared>> -> memref<10112x128xf32, #tpu.memory_space<vmem_shared>>
        tpu.wait_indirect_dma semaphore(%run_scoped3A_104 : memref<!tpu.dma_semaphore, #tpu.memory_space<semaphore_mem>>) src(%arg9 : memref<128x128xf32, #tpu.memory_space<vmem>>) dst(%dma_wait3A_116 : memref<10112x128xf32, #tpu.memory_space<vmem_shared>>)
        tpu.yield
      }) : () -> ()
      %add3A_86 = arith.constant 2 : i32
      %add3A_87 = arith.addi %add3A_71, %add3A_86 : i32
      %dma_start3A_88 = arith.constant 0 : i32
      %dma_start3A_89 = tpu.memref_slice %arg7[%add3A_87, %dma_start3A_88] : memref<40x128xi32, #tpu.memory_space<vmem>> -> memref<1x128xi32, #tpu.memory_space<vmem>>
      %dma_start3A_90 = tpu.memref_squeeze %dma_start3A_89 : memref<1x128xi32, #tpu.memory_space<vmem>> -> memref<128xi32, #tpu.memory_space<vmem>>
      %dma_start3A_91 = arith.constant 0 : i32
      %dma_start3A_92 = arith.constant 0 : i32
      %dma_start3A_93 = tpu.memref_slice %arg2[%dma_start3A_91, %dma_start3A_92] : memref<10000x128xf32, #tpu.memory_space<hbm>> -> memref<10000x128xf32, #tpu.memory_space<hbm>>
      tpu.enqueue_indirect_dma source(%dma_start3A_93 : memref<10000x128xf32, #tpu.memory_space<hbm>>) target(%arg9 : memref<128x128xf32, #tpu.memory_space<vmem>>) offsets(%dma_start3A_90 : memref<128xi32, #tpu.memory_space<vmem>>) semaphore(%arg12 : memref<!tpu.dma_semaphore, #tpu.memory_space<semaphore_mem>>)
      %add3A_94 = arith.constant 1 : i32
      %add3A_95 = arith.addi %add3A_71, %add3A_94 : i32
      %dma_wait3A_96 = arith.constant 0 : i32
      %dma_wait3A_97 = tpu.memref_slice %arg7[%add3A_95, %dma_wait3A_96] : memref<40x128xi32, #tpu.memory_space<vmem>> -> memref<1x128xi32, #tpu.memory_space<vmem>>
      %dma_wait3A_98 = tpu.memref_squeeze %dma_wait3A_97 : memref<1x128xi32, #tpu.memory_space<vmem>> -> memref<128xi32, #tpu.memory_space<vmem>>
      %dma_wait3A_99 = arith.constant 0 : i32
      %dma_wait3A_100 = arith.constant 0 : i32
      %dma_wait3A_101 = tpu.memref_slice %arg2[%dma_wait3A_99, %dma_wait3A_100] : memref<10000x128xf32, #tpu.memory_space<hbm>> -> memref<10000x128xf32, #tpu.memory_space<hbm>>
      tpu.wait_indirect_dma semaphore(%arg13 : memref<!tpu.dma_semaphore, #tpu.memory_space<semaphore_mem>>) src(%dma_wait3A_101 : memref<10000x128xf32, #tpu.memory_space<hbm>>) dst(%arg10 : memref<128x128xf32, #tpu.memory_space<vmem>>)
      %add3A_102 = arith.constant 1 : i32
      %add3A_103 = arith.addi %add3A_71, %add3A_102 : i32
      "tpu.region"() ({
        %run_scoped3A_104 = tpu.sem_alloc : memref<!tpu.dma_semaphore, #tpu.memory_space<semaphore_mem>>
        %dma_start3A_105 = arith.constant 0 : i32
        %dma_start3A_106 = tpu.memref_slice %arg8[%add3A_103, %dma_start3A_105] : memref<40x128xi32, #tpu.memory_space<vmem>> -> memref<1x128xi32, #tpu.memory_space<vmem>>
        %dma_start3A_107 = tpu.memref_squeeze %dma_start3A_106 : memref<1x128xi32, #tpu.memory_space<vmem>> -> memref<128xi32, #tpu.memory_space<vmem>>
        %dma_start3A_108 = arith.constant 0 : i32
        %dma_start3A_109 = arith.constant 0 : i32
        %dma_start3A_110 = tpu.memref_slice %arg11[%dma_start3A_108, %dma_start3A_109] : memref<10112x128xf32, #tpu.memory_space<vmem_shared>> -> memref<10112x128xf32, #tpu.memory_space<vmem_shared>>
        tpu.enqueue_indirect_dma source(%arg10 : memref<128x128xf32, #tpu.memory_space<vmem>>) target(%dma_start3A_110 : memref<10112x128xf32, #tpu.memory_space<vmem_shared>>) offsets(%dma_start3A_107 : memref<128xi32, #tpu.memory_space<vmem>>) semaphore(%run_scoped3A_104 : memref<!tpu.dma_semaphore, #tpu.memory_space<semaphore_mem>>) {add = true}
        %dma_wait3A_111 = arith.constant 0 : i32
        %dma_wait3A_112 = tpu.memref_slice %arg8[%add3A_103, %dma_wait3A_111] : memref<40x128xi32, #tpu.memory_space<vmem>> -> memref<1x128xi32, #tpu.memory_space<vmem>>
        %dma_wait3A_113 = tpu.memref_squeeze %dma_wait3A_112 : memref<1x128xi32, #tpu.memory_space<vmem>> -> memref<128xi32, #tpu.memory_space<vmem>>
        %dma_wait3A_114 = arith.constant 0 : i32
        %dma_wait3A_115 = arith.constant 0 : i32
        %dma_wait3A_116 = tpu.memref_slice %arg11[%dma_wait3A_114, %dma_wait3A_115] : memref<10112x128xf32, #tpu.memory_space<vmem_shared>> -> memref<10112x128xf32, #tpu.memory_space<vmem_shared>>
        tpu.wait_indirect_dma semaphore(%run_scoped3A_104 : memref<!tpu.dma_semaphore, #tpu.memory_space<semaphore_mem>>) src(%arg10 : memref<128x128xf32, #tpu.memory_space<vmem>>) dst(%dma_wait3A_116 : memref<10112x128xf32, #tpu.memory_space<vmem_shared>>)
        tpu.yield
      }) : () -> ()
    }
    %scan3A_10 = arith.constant 19 : i32
    %dma_start3A_11 = arith.constant 39 : i32
    %dma_start3A_12 = arith.constant 0 : i32
    %dma_start3A_13 = tpu.memref_slice %arg7[%dma_start3A_11, %dma_start3A_12] : memref<40x128xi32, #tpu.memory_space<vmem>> -> memref<1x128xi32, #tpu.memory_space<vmem>>
    %dma_start3A_14 = tpu.memref_squeeze %dma_start3A_13 : memref<1x128xi32, #tpu.memory_space<vmem>> -> memref<128xi32, #tpu.memory_space<vmem>>
    %dma_start3A_15 = arith.constant 0 : i32
    %dma_start3A_16 = arith.constant 0 : i32
    %dma_start3A_17 = tpu.memref_slice %arg2[%dma_start3A_15, %dma_start3A_16] : memref<10000x128xf32, #tpu.memory_space<hbm>> -> memref<10000x128xf32, #tpu.memory_space<hbm>>
    tpu.enqueue_indirect_dma source(%dma_start3A_17 : memref<10000x128xf32, #tpu.memory_space<hbm>>) target(%arg10 : memref<128x128xf32, #tpu.memory_space<vmem>>) offsets(%dma_start3A_14 : memref<128xi32, #tpu.memory_space<vmem>>) semaphore(%arg13 : memref<!tpu.dma_semaphore, #tpu.memory_space<semaphore_mem>>)
    %dma_wait3A = arith.constant 38 : i32
    %dma_wait3A_18 = arith.constant 0 : i32
    %dma_wait3A_19 = tpu.memref_slice %arg7[%dma_wait3A, %dma_wait3A_18] : memref<40x128xi32, #tpu.memory_space<vmem>> -> memref<1x128xi32, #tpu.memory_space<vmem>>
    %dma_wait3A_20 = tpu.memref_squeeze %dma_wait3A_19 : memref<1x128xi32, #tpu.memory_space<vmem>> -> memref<128xi32, #tpu.memory_space<vmem>>
    %dma_wait3A_21 = arith.constant 0 : i32
    %dma_wait3A_22 = arith.constant 0 : i32
    %dma_wait3A_23 = tpu.memref_slice %arg2[%dma_wait3A_21, %dma_wait3A_22] : memref<10000x128xf32, #tpu.memory_space<hbm>> -> memref<10000x128xf32, #tpu.memory_space<hbm>>
    tpu.wait_indirect_dma semaphore(%arg12 : memref<!tpu.dma_semaphore, #tpu.memory_space<semaphore_mem>>) src(%dma_wait3A_23 : memref<10000x128xf32, #tpu.memory_space<hbm>>) dst(%arg9 : memref<128x128xf32, #tpu.memory_space<vmem>>)
    %run_scoped3A = arith.constant 38 : i32
    "tpu.region"() ({
      %run_scoped3A_68 = tpu.sem_alloc : memref<!tpu.dma_semaphore, #tpu.memory_space<semaphore_mem>>
      %dma_start3A_69 = arith.constant 0 : i32
      %dma_start3A_70 = tpu.memref_slice %arg8[%run_scoped3A, %dma_start3A_69] : memref<40x128xi32, #tpu.memory_space<vmem>> -> memref<1x128xi32, #tpu.memory_space<vmem>>
      %dma_start3A_71 = tpu.memref_squeeze %dma_start3A_70 : memref<1x128xi32, #tpu.memory_space<vmem>> -> memref<128xi32, #tpu.memory_space<vmem>>
      %dma_start3A_72 = arith.constant 0 : i32
      %dma_start3A_73 = arith.constant 0 : i32
      %dma_start3A_74 = tpu.memref_slice %arg11[%dma_start3A_72, %dma_start3A_73] : memref<10112x128xf32, #tpu.memory_space<vmem_shared>> -> memref<10112x128xf32, #tpu.memory_space<vmem_shared>>
      tpu.enqueue_indirect_dma source(%arg9 : memref<128x128xf32, #tpu.memory_space<vmem>>) target(%dma_start3A_74 : memref<10112x128xf32, #tpu.memory_space<vmem_shared>>) offsets(%dma_start3A_71 : memref<128xi32, #tpu.memory_space<vmem>>) semaphore(%run_scoped3A_68 : memref<!tpu.dma_semaphore, #tpu.memory_space<semaphore_mem>>) {add = true}
      %dma_wait3A_75 = arith.constant 0 : i32
      %dma_wait3A_76 = tpu.memref_slice %arg8[%run_scoped3A, %dma_wait3A_75] : memref<40x128xi32, #tpu.memory_space<vmem>> -> memref<1x128xi32, #tpu.memory_space<vmem>>
      %dma_wait3A_77 = tpu.memref_squeeze %dma_wait3A_76 : memref<1x128xi32, #tpu.memory_space<vmem>> -> memref<128xi32, #tpu.memory_space<vmem>>
      %dma_wait3A_78 = arith.constant 0 : i32
      %dma_wait3A_79 = arith.constant 0 : i32
      %dma_wait3A_80 = tpu.memref_slice %arg11[%dma_wait3A_78, %dma_wait3A_79] : memref<10112x128xf32, #tpu.memory_space<vmem_shared>> -> memref<10112x128xf32, #tpu.memory_space<vmem_shared>>
      tpu.wait_indirect_dma semaphore(%run_scoped3A_68 : memref<!tpu.dma_semaphore, #tpu.memory_space<semaphore_mem>>) src(%arg9 : memref<128x128xf32, #tpu.memory_space<vmem>>) dst(%dma_wait3A_80 : memref<10112x128xf32, #tpu.memory_space<vmem_shared>>)
      tpu.yield
    }) : () -> ()
    %dma_wait3A_24 = arith.constant 39 : i32
    %dma_wait3A_25 = arith.constant 0 : i32
    %dma_wait3A_26 = tpu.memref_slice %arg7[%dma_wait3A_24, %dma_wait3A_25] : memref<40x128xi32, #tpu.memory_space<vmem>> -> memref<1x128xi32, #tpu.memory_space<vmem>>
    %dma_wait3A_27 = tpu.memref_squeeze %dma_wait3A_26 : memref<1x128xi32, #tpu.memory_space<vmem>> -> memref<128xi32, #tpu.memory_space<vmem>>
    %dma_wait3A_28 = arith.constant 0 : i32
    %dma_wait3A_29 = arith.constant 0 : i32
    %dma_wait3A_30 = tpu.memref_slice %arg2[%dma_wait3A_28, %dma_wait3A_29] : memref<10000x128xf32, #tpu.memory_space<hbm>> -> memref<10000x128xf32, #tpu.memory_space<hbm>>
    tpu.wait_indirect_dma semaphore(%arg13 : memref<!tpu.dma_semaphore, #tpu.memory_space<semaphore_mem>>) src(%dma_wait3A_30 : memref<10000x128xf32, #tpu.memory_space<hbm>>) dst(%arg10 : memref<128x128xf32, #tpu.memory_space<vmem>>)
    %run_scoped3A_31 = arith.constant 39 : i32
    "tpu.region"() ({
      %run_scoped3A_68 = tpu.sem_alloc : memref<!tpu.dma_semaphore, #tpu.memory_space<semaphore_mem>>
      %dma_start3A_69 = arith.constant 0 : i32
      %dma_start3A_70 = tpu.memref_slice %arg8[%run_scoped3A_31, %dma_start3A_69] : memref<40x128xi32, #tpu.memory_space<vmem>> -> memref<1x128xi32, #tpu.memory_space<vmem>>
      %dma_start3A_71 = tpu.memref_squeeze %dma_start3A_70 : memref<1x128xi32, #tpu.memory_space<vmem>> -> memref<128xi32, #tpu.memory_space<vmem>>
      %dma_start3A_72 = arith.constant 0 : i32
      %dma_start3A_73 = arith.constant 0 : i32
      %dma_start3A_74 = tpu.memref_slice %arg11[%dma_start3A_72, %dma_start3A_73] : memref<10112x128xf32, #tpu.memory_space<vmem_shared>> -> memref<10112x128xf32, #tpu.memory_space<vmem_shared>>
      tpu.enqueue_indirect_dma source(%arg10 : memref<128x128xf32, #tpu.memory_space<vmem>>) target(%dma_start3A_74 : memref<10112x128xf32, #tpu.memory_space<vmem_shared>>) offsets(%dma_start3A_71 : memref<128xi32, #tpu.memory_space<vmem>>) semaphore(%run_scoped3A_68 : memref<!tpu.dma_semaphore, #tpu.memory_space<semaphore_mem>>) {add = true}
      %dma_wait3A_75 = arith.constant 0 : i32
      %dma_wait3A_76 = tpu.memref_slice %arg8[%run_scoped3A_31, %dma_wait3A_75] : memref<40x128xi32, #tpu.memory_space<vmem>> -> memref<1x128xi32, #tpu.memory_space<vmem>>
      %dma_wait3A_77 = tpu.memref_squeeze %dma_wait3A_76 : memref<1x128xi32, #tpu.memory_space<vmem>> -> memref<128xi32, #tpu.memory_space<vmem>>
      %dma_wait3A_78 = arith.constant 0 : i32
      %dma_wait3A_79 = arith.constant 0 : i32
      %dma_wait3A_80 = tpu.memref_slice %arg11[%dma_wait3A_78, %dma_wait3A_79] : memref<10112x128xf32, #tpu.memory_space<vmem_shared>> -> memref<10112x128xf32, #tpu.memory_space<vmem_shared>>
      tpu.wait_indirect_dma semaphore(%run_scoped3A_68 : memref<!tpu.dma_semaphore, #tpu.memory_space<semaphore_mem>>) src(%arg10 : memref<128x128xf32, #tpu.memory_space<vmem>>) dst(%dma_wait3A_80 : memref<10112x128xf32, #tpu.memory_space<vmem_shared>>)
      tpu.yield
    }) : () -> ()
    "tpu.region"() ({
      %run_scoped3A_68 = tpu.sem_alloc : memref<!tpu.dma_semaphore, #tpu.memory_space<semaphore_mem>>
      %dma_start3A_69 = arith.constant 40 : i32
      %dma_start3A_70 = arith.constant 0 : i32
      %dma_start3A_71 = tpu.memref_slice %arg3[%arg0, %arg1, %dma_start3A_69, %dma_start3A_70] : memref<2x16x80x128xi32, #tpu.memory_space<hbm>> -> memref<1x1x40x128xi32, #tpu.memory_space<hbm>>
      %dma_start3A_72 = tpu.memref_squeeze %dma_start3A_71 : memref<1x1x40x128xi32, #tpu.memory_space<hbm>> -> memref<40x128xi32, #tpu.memory_space<hbm>>
      %dma_start3A_73 = arith.constant 40 : i32
      %dma_start3A_74 = arith.constant 0 : i32
      %dma_start3A_75 = tpu.memref_slice %arg3[%arg0, %arg1, %dma_start3A_73, %dma_start3A_74] : memref<2x16x80x128xi32, #tpu.memory_space<hbm>> -> memref<1x1x40x128xi32, #tpu.memory_space<hbm>>
      %dma_start3A_76 = tpu.memref_squeeze %dma_start3A_75 : memref<1x1x40x128xi32, #tpu.memory_space<hbm>> -> memref<40x128xi32, #tpu.memory_space<hbm>>
      tpu.enqueue_dma source(%dma_start3A_76 : memref<40x128xi32, #tpu.memory_space<hbm>>) target(%arg7 : memref<40x128xi32, #tpu.memory_space<vmem>>) target_semaphore(%run_scoped3A_68 : memref<!tpu.dma_semaphore, #tpu.memory_space<semaphore_mem>>)
      %dma_wait3A_77 = arith.constant 40 : i32
      %dma_wait3A_78 = arith.constant 0 : i32
      %dma_wait3A_79 = tpu.memref_slice %arg3[%arg0, %arg1, %dma_wait3A_77, %dma_wait3A_78] : memref<2x16x80x128xi32, #tpu.memory_space<hbm>> -> memref<1x1x40x128xi32, #tpu.memory_space<hbm>>
      %dma_wait3A_80 = tpu.memref_squeeze %dma_wait3A_79 : memref<1x1x40x128xi32, #tpu.memory_space<hbm>> -> memref<40x128xi32, #tpu.memory_space<hbm>>
      %dma_wait3A_81 = arith.constant 40 : i32
      %dma_wait3A_82 = arith.constant 0 : i32
      %dma_wait3A_83 = tpu.memref_slice %arg3[%arg0, %arg1, %dma_wait3A_81, %dma_wait3A_82] : memref<2x16x80x128xi32, #tpu.memory_space<hbm>> -> memref<1x1x40x128xi32, #tpu.memory_space<hbm>>
      %dma_wait3A_84 = tpu.memref_squeeze %dma_wait3A_83 : memref<1x1x40x128xi32, #tpu.memory_space<hbm>> -> memref<40x128xi32, #tpu.memory_space<hbm>>
      tpu.wait_dma2 semaphore(%run_scoped3A_68 : memref<!tpu.dma_semaphore, #tpu.memory_space<semaphore_mem>>) src(%dma_wait3A_84 : memref<40x128xi32, #tpu.memory_space<hbm>>) dst(%arg7 : memref<40x128xi32, #tpu.memory_space<vmem>>)
      tpu.yield
    }) : () -> ()
    "tpu.region"() ({
      %run_scoped3A_68 = tpu.sem_alloc : memref<!tpu.dma_semaphore, #tpu.memory_space<semaphore_mem>>
      %dma_start3A_69 = arith.constant 40 : i32
      %dma_start3A_70 = arith.constant 0 : i32
      %dma_start3A_71 = tpu.memref_slice %arg4[%arg0, %arg1, %dma_start3A_69, %dma_start3A_70] : memref<2x16x80x128xi32, #tpu.memory_space<hbm>> -> memref<1x1x40x128xi32, #tpu.memory_space<hbm>>
      %dma_start3A_72 = tpu.memref_squeeze %dma_start3A_71 : memref<1x1x40x128xi32, #tpu.memory_space<hbm>> -> memref<40x128xi32, #tpu.memory_space<hbm>>
      %dma_start3A_73 = arith.constant 40 : i32
      %dma_start3A_74 = arith.constant 0 : i32
      %dma_start3A_75 = tpu.memref_slice %arg4[%arg0, %arg1, %dma_start3A_73, %dma_start3A_74] : memref<2x16x80x128xi32, #tpu.memory_space<hbm>> -> memref<1x1x40x128xi32, #tpu.memory_space<hbm>>
      %dma_start3A_76 = tpu.memref_squeeze %dma_start3A_75 : memref<1x1x40x128xi32, #tpu.memory_space<hbm>> -> memref<40x128xi32, #tpu.memory_space<hbm>>
      tpu.enqueue_dma source(%dma_start3A_76 : memref<40x128xi32, #tpu.memory_space<hbm>>) target(%arg8 : memref<40x128xi32, #tpu.memory_space<vmem>>) target_semaphore(%run_scoped3A_68 : memref<!tpu.dma_semaphore, #tpu.memory_space<semaphore_mem>>)
      %dma_wait3A_77 = arith.constant 40 : i32
      %dma_wait3A_78 = arith.constant 0 : i32
      %dma_wait3A_79 = tpu.memref_slice %arg4[%arg0, %arg1, %dma_wait3A_77, %dma_wait3A_78] : memref<2x16x80x128xi32, #tpu.memory_space<hbm>> -> memref<1x1x40x128xi32, #tpu.memory_space<hbm>>
      %dma_wait3A_80 = tpu.memref_squeeze %dma_wait3A_79 : memref<1x1x40x128xi32, #tpu.memory_space<hbm>> -> memref<40x128xi32, #tpu.memory_space<hbm>>
      %dma_wait3A_81 = arith.constant 40 : i32
      %dma_wait3A_82 = arith.constant 0 : i32
      %dma_wait3A_83 = tpu.memref_slice %arg4[%arg0, %arg1, %dma_wait3A_81, %dma_wait3A_82] : memref<2x16x80x128xi32, #tpu.memory_space<hbm>> -> memref<1x1x40x128xi32, #tpu.memory_space<hbm>>
      %dma_wait3A_84 = tpu.memref_squeeze %dma_wait3A_83 : memref<1x1x40x128xi32, #tpu.memory_space<hbm>> -> memref<40x128xi32, #tpu.memory_space<hbm>>
      tpu.wait_dma2 semaphore(%run_scoped3A_68 : memref<!tpu.dma_semaphore, #tpu.memory_space<semaphore_mem>>) src(%dma_wait3A_84 : memref<40x128xi32, #tpu.memory_space<hbm>>) dst(%arg8 : memref<40x128xi32, #tpu.memory_space<vmem>>)
      tpu.yield
    }) : () -> ()
    %dma_start3A_32 = arith.constant 0 : i32
    %dma_start3A_33 = arith.constant 0 : i32
    %dma_start3A_34 = tpu.memref_slice %arg7[%dma_start3A_32, %dma_start3A_33] : memref<40x128xi32, #tpu.memory_space<vmem>> -> memref<1x128xi32, #tpu.memory_space<vmem>>
    %dma_start3A_35 = tpu.memref_squeeze %dma_start3A_34 : memref<1x128xi32, #tpu.memory_space<vmem>> -> memref<128xi32, #tpu.memory_space<vmem>>
    %dma_start3A_36 = arith.constant 0 : i32
    %dma_start3A_37 = arith.constant 0 : i32
    %dma_start3A_38 = tpu.memref_slice %arg2[%dma_start3A_36, %dma_start3A_37] : memref<10000x128xf32, #tpu.memory_space<hbm>> -> memref<10000x128xf32, #tpu.memory_space<hbm>>
    tpu.enqueue_indirect_dma source(%dma_start3A_38 : memref<10000x128xf32, #tpu.memory_space<hbm>>) target(%arg9 : memref<128x128xf32, #tpu.memory_space<vmem>>) offsets(%dma_start3A_35 : memref<128xi32, #tpu.memory_space<vmem>>) semaphore(%arg12 : memref<!tpu.dma_semaphore, #tpu.memory_space<semaphore_mem>>)
    %scan3A_39 = arith.constant 0 : i32
    %scan3A_40 = arith.constant 19 : i32
    %scan3A_41 = arith.addi %scan3A_39, %scan3A_40 : i32
    %scan3A_42 = arith.constant 1 : i32
    scf.for %scan3A_68 = %scan3A_39 to %scan3A_41 step %scan3A_42  : i32 {
      %mul3A_69 = arith.constant 2 : i32
      %mul3A_70 = arith.muli %scan3A_68, %mul3A_69 : i32
      %add3A = arith.constant 0 : i32
      %add3A_71 = arith.addi %add3A, %mul3A_70 : i32
      %add3A_72 = arith.constant 1 : i32
      %add3A_73 = arith.addi %add3A_71, %add3A_72 : i32
      %dma_start3A_74 = arith.constant 0 : i32
      %dma_start3A_75 = tpu.memref_slice %arg7[%add3A_73, %dma_start3A_74] : memref<40x128xi32, #tpu.memory_space<vmem>> -> memref<1x128xi32, #tpu.memory_space<vmem>>
      %dma_start3A_76 = tpu.memref_squeeze %dma_start3A_75 : memref<1x128xi32, #tpu.memory_space<vmem>> -> memref<128xi32, #tpu.memory_space<vmem>>
      %dma_start3A_77 = arith.constant 0 : i32
      %dma_start3A_78 = arith.constant 0 : i32
      %dma_start3A_79 = tpu.memref_slice %arg2[%dma_start3A_77, %dma_start3A_78] : memref<10000x128xf32, #tpu.memory_space<hbm>> -> memref<10000x128xf32, #tpu.memory_space<hbm>>
      tpu.enqueue_indirect_dma source(%dma_start3A_79 : memref<10000x128xf32, #tpu.memory_space<hbm>>) target(%arg10 : memref<128x128xf32, #tpu.memory_space<vmem>>) offsets(%dma_start3A_76 : memref<128xi32, #tpu.memory_space<vmem>>) semaphore(%arg13 : memref<!tpu.dma_semaphore, #tpu.memory_space<semaphore_mem>>)
      %dma_wait3A_80 = arith.constant 0 : i32
      %dma_wait3A_81 = tpu.memref_slice %arg7[%add3A_71, %dma_wait3A_80] : memref<40x128xi32, #tpu.memory_space<vmem>> -> memref<1x128xi32, #tpu.memory_space<vmem>>
      %dma_wait3A_82 = tpu.memref_squeeze %dma_wait3A_81 : memref<1x128xi32, #tpu.memory_space<vmem>> -> memref<128xi32, #tpu.memory_space<vmem>>
      %dma_wait3A_83 = arith.constant 0 : i32
      %dma_wait3A_84 = arith.constant 0 : i32
      %dma_wait3A_85 = tpu.memref_slice %arg2[%dma_wait3A_83, %dma_wait3A_84] : memref<10000x128xf32, #tpu.memory_space<hbm>> -> memref<10000x128xf32, #tpu.memory_space<hbm>>
      tpu.wait_indirect_dma semaphore(%arg12 : memref<!tpu.dma_semaphore, #tpu.memory_space<semaphore_mem>>) src(%dma_wait3A_85 : memref<10000x128xf32, #tpu.memory_space<hbm>>) dst(%arg9 : memref<128x128xf32, #tpu.memory_space<vmem>>)
      "tpu.region"() ({
        %run_scoped3A_104 = tpu.sem_alloc : memref<!tpu.dma_semaphore, #tpu.memory_space<semaphore_mem>>
        %dma_start3A_105 = arith.constant 0 : i32
        %dma_start3A_106 = tpu.memref_slice %arg8[%add3A_71, %dma_start3A_105] : memref<40x128xi32, #tpu.memory_space<vmem>> -> memref<1x128xi32, #tpu.memory_space<vmem>>
        %dma_start3A_107 = tpu.memref_squeeze %dma_start3A_106 : memref<1x128xi32, #tpu.memory_space<vmem>> -> memref<128xi32, #tpu.memory_space<vmem>>
        %dma_start3A_108 = arith.constant 0 : i32
        %dma_start3A_109 = arith.constant 0 : i32
        %dma_start3A_110 = tpu.memref_slice %arg11[%dma_start3A_108, %dma_start3A_109] : memref<10112x128xf32, #tpu.memory_space<vmem_shared>> -> memref<10112x128xf32, #tpu.memory_space<vmem_shared>>
        tpu.enqueue_indirect_dma source(%arg9 : memref<128x128xf32, #tpu.memory_space<vmem>>) target(%dma_start3A_110 : memref<10112x128xf32, #tpu.memory_space<vmem_shared>>) offsets(%dma_start3A_107 : memref<128xi32, #tpu.memory_space<vmem>>) semaphore(%run_scoped3A_104 : memref<!tpu.dma_semaphore, #tpu.memory_space<semaphore_mem>>) {add = true}
        %dma_wait3A_111 = arith.constant 0 : i32
        %dma_wait3A_112 = tpu.memref_slice %arg8[%add3A_71, %dma_wait3A_111] : memref<40x128xi32, #tpu.memory_space<vmem>> -> memref<1x128xi32, #tpu.memory_space<vmem>>
        %dma_wait3A_113 = tpu.memref_squeeze %dma_wait3A_112 : memref<1x128xi32, #tpu.memory_space<vmem>> -> memref<128xi32, #tpu.memory_space<vmem>>
        %dma_wait3A_114 = arith.constant 0 : i32
        %dma_wait3A_115 = arith.constant 0 : i32
        %dma_wait3A_116 = tpu.memref_slice %arg11[%dma_wait3A_114, %dma_wait3A_115] : memref<10112x128xf32, #tpu.memory_space<vmem_shared>> -> memref<10112x128xf32, #tpu.memory_space<vmem_shared>>
        tpu.wait_indirect_dma semaphore(%run_scoped3A_104 : memref<!tpu.dma_semaphore, #tpu.memory_space<semaphore_mem>>) src(%arg9 : memref<128x128xf32, #tpu.memory_space<vmem>>) dst(%dma_wait3A_116 : memref<10112x128xf32, #tpu.memory_space<vmem_shared>>)
        tpu.yield
      }) : () -> ()
      %add3A_86 = arith.constant 2 : i32
      %add3A_87 = arith.addi %add3A_71, %add3A_86 : i32
      %dma_start3A_88 = arith.constant 0 : i32
      %dma_start3A_89 = tpu.memref_slice %arg7[%add3A_87, %dma_start3A_88] : memref<40x128xi32, #tpu.memory_space<vmem>> -> memref<1x128xi32, #tpu.memory_space<vmem>>
      %dma_start3A_90 = tpu.memref_squeeze %dma_start3A_89 : memref<1x128xi32, #tpu.memory_space<vmem>> -> memref<128xi32, #tpu.memory_space<vmem>>
      %dma_start3A_91 = arith.constant 0 : i32
      %dma_start3A_92 = arith.constant 0 : i32
      %dma_start3A_93 = tpu.memref_slice %arg2[%dma_start3A_91, %dma_start3A_92] : memref<10000x128xf32, #tpu.memory_space<hbm>> -> memref<10000x128xf32, #tpu.memory_space<hbm>>
      tpu.enqueue_indirect_dma source(%dma_start3A_93 : memref<10000x128xf32, #tpu.memory_space<hbm>>) target(%arg9 : memref<128x128xf32, #tpu.memory_space<vmem>>) offsets(%dma_start3A_90 : memref<128xi32, #tpu.memory_space<vmem>>) semaphore(%arg12 : memref<!tpu.dma_semaphore, #tpu.memory_space<semaphore_mem>>)
      %add3A_94 = arith.constant 1 : i32
      %add3A_95 = arith.addi %add3A_71, %add3A_94 : i32
      %dma_wait3A_96 = arith.constant 0 : i32
      %dma_wait3A_97 = tpu.memref_slice %arg7[%add3A_95, %dma_wait3A_96] : memref<40x128xi32, #tpu.memory_space<vmem>> -> memref<1x128xi32, #tpu.memory_space<vmem>>
      %dma_wait3A_98 = tpu.memref_squeeze %dma_wait3A_97 : memref<1x128xi32, #tpu.memory_space<vmem>> -> memref<128xi32, #tpu.memory_space<vmem>>
      %dma_wait3A_99 = arith.constant 0 : i32
      %dma_wait3A_100 = arith.constant 0 : i32
      %dma_wait3A_101 = tpu.memref_slice %arg2[%dma_wait3A_99, %dma_wait3A_100] : memref<10000x128xf32, #tpu.memory_space<hbm>> -> memref<10000x128xf32, #tpu.memory_space<hbm>>
      tpu.wait_indirect_dma semaphore(%arg13 : memref<!tpu.dma_semaphore, #tpu.memory_space<semaphore_mem>>) src(%dma_wait3A_101 : memref<10000x128xf32, #tpu.memory_space<hbm>>) dst(%arg10 : memref<128x128xf32, #tpu.memory_space<vmem>>)
      %add3A_102 = arith.constant 1 : i32
      %add3A_103 = arith.addi %add3A_71, %add3A_102 : i32
      "tpu.region"() ({
        %run_scoped3A_104 = tpu.sem_alloc : memref<!tpu.dma_semaphore, #tpu.memory_space<semaphore_mem>>
        %dma_start3A_105 = arith.constant 0 : i32
        %dma_start3A_106 = tpu.memref_slice %arg8[%add3A_103, %dma_start3A_105] : memref<40x128xi32, #tpu.memory_space<vmem>> -> memref<1x128xi32, #tpu.memory_space<vmem>>
        %dma_start3A_107 = tpu.memref_squeeze %dma_start3A_106 : memref<1x128xi32, #tpu.memory_space<vmem>> -> memref<128xi32, #tpu.memory_space<vmem>>
        %dma_start3A_108 = arith.constant 0 : i32
        %dma_start3A_109 = arith.constant 0 : i32
        %dma_start3A_110 = tpu.memref_slice %arg11[%dma_start3A_108, %dma_start3A_109] : memref<10112x128xf32, #tpu.memory_space<vmem_shared>> -> memref<10112x128xf32, #tpu.memory_space<vmem_shared>>
        tpu.enqueue_indirect_dma source(%arg10 : memref<128x128xf32, #tpu.memory_space<vmem>>) target(%dma_start3A_110 : memref<10112x128xf32, #tpu.memory_space<vmem_shared>>) offsets(%dma_start3A_107 : memref<128xi32, #tpu.memory_space<vmem>>) semaphore(%run_scoped3A_104 : memref<!tpu.dma_semaphore, #tpu.memory_space<semaphore_mem>>) {add = true}
        %dma_wait3A_111 = arith.constant 0 : i32
        %dma_wait3A_112 = tpu.memref_slice %arg8[%add3A_103, %dma_wait3A_111] : memref<40x128xi32, #tpu.memory_space<vmem>> -> memref<1x128xi32, #tpu.memory_space<vmem>>
        %dma_wait3A_113 = tpu.memref_squeeze %dma_wait3A_112 : memref<1x128xi32, #tpu.memory_space<vmem>> -> memref<128xi32, #tpu.memory_space<vmem>>
        %dma_wait3A_114 = arith.constant 0 : i32
        %dma_wait3A_115 = arith.constant 0 : i32
        %dma_wait3A_116 = tpu.memref_slice %arg11[%dma_wait3A_114, %dma_wait3A_115] : memref<10112x128xf32, #tpu.memory_space<vmem_shared>> -> memref<10112x128xf32, #tpu.memory_space<vmem_shared>>
        tpu.wait_indirect_dma semaphore(%run_scoped3A_104 : memref<!tpu.dma_semaphore, #tpu.memory_space<semaphore_mem>>) src(%arg10 : memref<128x128xf32, #tpu.memory_space<vmem>>) dst(%dma_wait3A_116 : memref<10112x128xf32, #tpu.memory_space<vmem_shared>>)
        tpu.yield
      }) : () -> ()
    }
    %scan3A_43 = arith.constant 19 : i32
    %dma_start3A_44 = arith.constant 39 : i32
    %dma_start3A_45 = arith.constant 0 : i32
    %dma_start3A_46 = tpu.memref_slice %arg7[%dma_start3A_44, %dma_start3A_45] : memref<40x128xi32, #tpu.memory_space<vmem>> -> memref<1x128xi32, #tpu.memory_space<vmem>>
    %dma_start3A_47 = tpu.memref_squeeze %dma_start3A_46 : memref<1x128xi32, #tpu.memory_space<vmem>> -> memref<128xi32, #tpu.memory_space<vmem>>
    %dma_start3A_48 = arith.constant 0 : i32
    %dma_start3A_49 = arith.constant 0 : i32
    %dma_start3A_50 = tpu.memref_slice %arg2[%dma_start3A_48, %dma_start3A_49] : memref<10000x128xf32, #tpu.memory_space<hbm>> -> memref<10000x128xf32, #tpu.memory_space<hbm>>
    tpu.enqueue_indirect_dma source(%dma_start3A_50 : memref<10000x128xf32, #tpu.memory_space<hbm>>) target(%arg10 : memref<128x128xf32, #tpu.memory_space<vmem>>) offsets(%dma_start3A_47 : memref<128xi32, #tpu.memory_space<vmem>>) semaphore(%arg13 : memref<!tpu.dma_semaphore, #tpu.memory_space<semaphore_mem>>)
    %dma_wait3A_51 = arith.constant 38 : i32
    %dma_wait3A_52 = arith.constant 0 : i32
    %dma_wait3A_53 = tpu.memref_slice %arg7[%dma_wait3A_51, %dma_wait3A_52] : memref<40x128xi32, #tpu.memory_space<vmem>> -> memref<1x128xi32, #tpu.memory_space<vmem>>
    %dma_wait3A_54 = tpu.memref_squeeze %dma_wait3A_53 : memref<1x128xi32, #tpu.memory_space<vmem>> -> memref<128xi32, #tpu.memory_space<vmem>>
    %dma_wait3A_55 = arith.constant 0 : i32
    %dma_wait3A_56 = arith.constant 0 : i32
    %dma_wait3A_57 = tpu.memref_slice %arg2[%dma_wait3A_55, %dma_wait3A_56] : memref<10000x128xf32, #tpu.memory_space<hbm>> -> memref<10000x128xf32, #tpu.memory_space<hbm>>
    tpu.wait_indirect_dma semaphore(%arg12 : memref<!tpu.dma_semaphore, #tpu.memory_space<semaphore_mem>>) src(%dma_wait3A_57 : memref<10000x128xf32, #tpu.memory_space<hbm>>) dst(%arg9 : memref<128x128xf32, #tpu.memory_space<vmem>>)
    %run_scoped3A_58 = arith.constant 38 : i32
    "tpu.region"() ({
      %run_scoped3A_68 = tpu.sem_alloc : memref<!tpu.dma_semaphore, #tpu.memory_space<semaphore_mem>>
      %dma_start3A_69 = arith.constant 0 : i32
      %dma_start3A_70 = tpu.memref_slice %arg8[%run_scoped3A_58, %dma_start3A_69] : memref<40x128xi32, #tpu.memory_space<vmem>> -> memref<1x128xi32, #tpu.memory_space<vmem>>
      %dma_start3A_71 = tpu.memref_squeeze %dma_start3A_70 : memref<1x128xi32, #tpu.memory_space<vmem>> -> memref<128xi32, #tpu.memory_space<vmem>>
      %dma_start3A_72 = arith.constant 0 : i32
      %dma_start3A_73 = arith.constant 0 : i32
      %dma_start3A_74 = tpu.memref_slice %arg11[%dma_start3A_72, %dma_start3A_73] : memref<10112x128xf32, #tpu.memory_space<vmem_shared>> -> memref<10112x128xf32, #tpu.memory_space<vmem_shared>>
      tpu.enqueue_indirect_dma source(%arg9 : memref<128x128xf32, #tpu.memory_space<vmem>>) target(%dma_start3A_74 : memref<10112x128xf32, #tpu.memory_space<vmem_shared>>) offsets(%dma_start3A_71 : memref<128xi32, #tpu.memory_space<vmem>>) semaphore(%run_scoped3A_68 : memref<!tpu.dma_semaphore, #tpu.memory_space<semaphore_mem>>) {add = true}
      %dma_wait3A_75 = arith.constant 0 : i32
      %dma_wait3A_76 = tpu.memref_slice %arg8[%run_scoped3A_58, %dma_wait3A_75] : memref<40x128xi32, #tpu.memory_space<vmem>> -> memref<1x128xi32, #tpu.memory_space<vmem>>
      %dma_wait3A_77 = tpu.memref_squeeze %dma_wait3A_76 : memref<1x128xi32, #tpu.memory_space<vmem>> -> memref<128xi32, #tpu.memory_space<vmem>>
      %dma_wait3A_78 = arith.constant 0 : i32
      %dma_wait3A_79 = arith.constant 0 : i32
      %dma_wait3A_80 = tpu.memref_slice %arg11[%dma_wait3A_78, %dma_wait3A_79] : memref<10112x128xf32, #tpu.memory_space<vmem_shared>> -> memref<10112x128xf32, #tpu.memory_space<vmem_shared>>
      tpu.wait_indirect_dma semaphore(%run_scoped3A_68 : memref<!tpu.dma_semaphore, #tpu.memory_space<semaphore_mem>>) src(%arg9 : memref<128x128xf32, #tpu.memory_space<vmem>>) dst(%dma_wait3A_80 : memref<10112x128xf32, #tpu.memory_space<vmem_shared>>)
      tpu.yield
    }) : () -> ()
    %dma_wait3A_59 = arith.constant 39 : i32
    %dma_wait3A_60 = arith.constant 0 : i32
    %dma_wait3A_61 = tpu.memref_slice %arg7[%dma_wait3A_59, %dma_wait3A_60] : memref<40x128xi32, #tpu.memory_space<vmem>> -> memref<1x128xi32, #tpu.memory_space<vmem>>
    %dma_wait3A_62 = tpu.memref_squeeze %dma_wait3A_61 : memref<1x128xi32, #tpu.memory_space<vmem>> -> memref<128xi32, #tpu.memory_space<vmem>>
    %dma_wait3A_63 = arith.constant 0 : i32
    %dma_wait3A_64 = arith.constant 0 : i32
    %dma_wait3A_65 = tpu.memref_slice %arg2[%dma_wait3A_63, %dma_wait3A_64] : memref<10000x128xf32, #tpu.memory_space<hbm>> -> memref<10000x128xf32, #tpu.memory_space<hbm>>
    tpu.wait_indirect_dma semaphore(%arg13 : memref<!tpu.dma_semaphore, #tpu.memory_space<semaphore_mem>>) src(%dma_wait3A_65 : memref<10000x128xf32, #tpu.memory_space<hbm>>) dst(%arg10 : memref<128x128xf32, #tpu.memory_space<vmem>>)
    %run_scoped3A_66 = arith.constant 39 : i32
    "tpu.region"() ({
      %run_scoped3A_68 = tpu.sem_alloc : memref<!tpu.dma_semaphore, #tpu.memory_space<semaphore_mem>>
      %dma_start3A_69 = arith.constant 0 : i32
      %dma_start3A_70 = tpu.memref_slice %arg8[%run_scoped3A_66, %dma_start3A_69] : memref<40x128xi32, #tpu.memory_space<vmem>> -> memref<1x128xi32, #tpu.memory_space<vmem>>
      %dma_start3A_71 = tpu.memref_squeeze %dma_start3A_70 : memref<1x128xi32, #tpu.memory_space<vmem>> -> memref<128xi32, #tpu.memory_space<vmem>>
      %dma_start3A_72 = arith.constant 0 : i32
      %dma_start3A_73 = arith.constant 0 : i32
      %dma_start3A_74 = tpu.memref_slice %arg11[%dma_start3A_72, %dma_start3A_73] : memref<10112x128xf32, #tpu.memory_space<vmem_shared>> -> memref<10112x128xf32, #tpu.memory_space<vmem_shared>>
      tpu.enqueue_indirect_dma source(%arg10 : memref<128x128xf32, #tpu.memory_space<vmem>>) target(%dma_start3A_74 : memref<10112x128xf32, #tpu.memory_space<vmem_shared>>) offsets(%dma_start3A_71 : memref<128xi32, #tpu.memory_space<vmem>>) semaphore(%run_scoped3A_68 : memref<!tpu.dma_semaphore, #tpu.memory_space<semaphore_mem>>) {add = true}
      %dma_wait3A_75 = arith.constant 0 : i32
      %dma_wait3A_76 = tpu.memref_slice %arg8[%run_scoped3A_66, %dma_wait3A_75] : memref<40x128xi32, #tpu.memory_space<vmem>> -> memref<1x128xi32, #tpu.memory_space<vmem>>
      %dma_wait3A_77 = tpu.memref_squeeze %dma_wait3A_76 : memref<1x128xi32, #tpu.memory_space<vmem>> -> memref<128xi32, #tpu.memory_space<vmem>>
      %dma_wait3A_78 = arith.constant 0 : i32
      %dma_wait3A_79 = arith.constant 0 : i32
      %dma_wait3A_80 = tpu.memref_slice %arg11[%dma_wait3A_78, %dma_wait3A_79] : memref<10112x128xf32, #tpu.memory_space<vmem_shared>> -> memref<10112x128xf32, #tpu.memory_space<vmem_shared>>
      tpu.wait_indirect_dma semaphore(%run_scoped3A_68 : memref<!tpu.dma_semaphore, #tpu.memory_space<semaphore_mem>>) src(%arg10 : memref<128x128xf32, #tpu.memory_space<vmem>>) dst(%dma_wait3A_80 : memref<10112x128xf32, #tpu.memory_space<vmem_shared>>)
      tpu.yield
    }) : () -> ()
    %barrier3A_67 = arith.constant 0 : index
    tpu.barrier barrier_id(%barrier3A_67)
    "tpu.region"() ({
      %run_scoped3A_68 = tpu.sem_alloc : memref<!tpu.dma_semaphore, #tpu.memory_space<semaphore_mem>>
      %dma_start3A_69 = arith.constant 0 : i32
      %dma_start3A_70 = tpu.memref_slice %arg6[%arg0, %mul3A_0, %dma_start3A_69] : memref<2x10112x128xf32, #tpu.memory_space<hbm>> -> memref<1x632x128xf32, #tpu.memory_space<hbm>>
      %dma_start3A_71 = tpu.memref_squeeze %dma_start3A_70 : memref<1x632x128xf32, #tpu.memory_space<hbm>> -> memref<632x128xf32, #tpu.memory_space<hbm>>
      %dma_start3A_72 = arith.constant 0 : i32
      %dma_start3A_73 = tpu.memref_slice %arg11[%mul3A_0, %dma_start3A_72] : memref<10112x128xf32, #tpu.memory_space<vmem_shared>> -> memref<632x128xf32, #tpu.memory_space<vmem_shared>>
      tpu.enqueue_dma source(%dma_start3A_73 : memref<632x128xf32, #tpu.memory_space<vmem_shared>>) target(%dma_start3A_71 : memref<632x128xf32, #tpu.memory_space<hbm>>) target_semaphore(%run_scoped3A_68 : memref<!tpu.dma_semaphore, #tpu.memory_space<semaphore_mem>>)
      %dma_wait3A_74 = arith.constant 0 : i32
      %dma_wait3A_75 = tpu.memref_slice %arg6[%arg0, %mul3A_0, %dma_wait3A_74] : memref<2x10112x128xf32, #tpu.memory_space<hbm>> -> memref<1x632x128xf32, #tpu.memory_space<hbm>>
      %dma_wait3A_76 = tpu.memref_squeeze %dma_wait3A_75 : memref<1x632x128xf32, #tpu.memory_space<hbm>> -> memref<632x128xf32, #tpu.memory_space<hbm>>
      %dma_wait3A_77 = arith.constant 0 : i32
      %dma_wait3A_78 = tpu.memref_slice %arg11[%mul3A_0, %dma_wait3A_77] : memref<10112x128xf32, #tpu.memory_space<vmem_shared>> -> memref<632x128xf32, #tpu.memory_space<vmem_shared>>
      tpu.wait_dma2 semaphore(%run_scoped3A_68 : memref<!tpu.dma_semaphore, #tpu.memory_space<semaphore_mem>>) src(%dma_wait3A_78 : memref<632x128xf32, #tpu.memory_space<vmem_shared>>) dst(%dma_wait3A_76 : memref<632x128xf32, #tpu.memory_space<hbm>>)
      tpu.yield
    }) : () -> ()
    return
  }
}

module attributes {stable_mosaic.version = 14 : i64} {
  func.func @_mm1_body(%arg0: i32, %arg1: memref<1000x128xf32, #tpu.memory_space<vmem>>, %arg2: memref<2x1000x128xf32, #tpu.memory_space<vmem>>, %arg3: memref<128x128xf32, #tpu.memory_space<vmem>>, %arg4: memref<1x128xf32, #tpu.memory_space<vmem>>, %arg5: memref<1000x128xf32, #tpu.memory_space<vmem>>) attributes {dimension_semantics = [#tpu.dimension_semantics<arbitrary>], iteration_bounds = array<i64: 10>, scalar_prefetch = 0 : i64, scratch_operands = 0 : i64, tpu.core_type = #tpu.core_type<tc>, window_params = [{transform_indices = @transform_0, window_bounds = array<i64: 1000, 128>}, {transform_indices = @transform_1, window_bounds = array<i64: 2, 1000, 128>}, {pipeline_mode = #tpu.pipeline_mode<synchronous>, transform_indices = @transform_2, window_bounds = array<i64: 128, 128>}, {pipeline_mode = #tpu.pipeline_mode<synchronous>, transform_indices = @transform_3, window_bounds = array<i64: 1, 128>}, {transform_indices = @transform_4, window_bounds = array<i64: 1000, 128>}]} {
    %get3A = arith.constant 0 : index
    %get3A_0 = arith.constant 0 : index
    %get3A_1 = vector.load %arg1[%get3A, %get3A_0] : memref<1000x128xf32, #tpu.memory_space<vmem>>, vector<1000x128xf32>
    %get3A_2 = arith.constant 0 : index
    %get3A_3 = arith.constant 0 : index
    %get3A_4 = arith.constant 0 : index
    %get3A_5 = vector.load %arg2[%get3A_2, %get3A_3, %get3A_4] : memref<2x1000x128xf32, #tpu.memory_space<vmem>>, vector<1x1000x128xf32>
    %get3A_6 = vector.shape_cast %get3A_5 : vector<1x1000x128xf32> to vector<1000x128xf32>
    %add3A = arith.addf %get3A_1, %get3A_6 : vector<1000x128xf32>
    %get3A_7 = arith.constant 1 : index
    %get3A_8 = arith.constant 0 : index
    %get3A_9 = arith.constant 0 : index
    %get3A_10 = vector.load %arg2[%get3A_7, %get3A_8, %get3A_9] : memref<2x1000x128xf32, #tpu.memory_space<vmem>>, vector<1x1000x128xf32>
    %get3A_11 = vector.shape_cast %get3A_10 : vector<1x1000x128xf32> to vector<1000x128xf32>
    %add3A_12 = arith.addf %add3A, %get3A_11 : vector<1000x128xf32>
    %get3A_13 = arith.constant 0 : index
    %get3A_14 = arith.constant 0 : index
    %get3A_15 = vector.load %arg3[%get3A_13, %get3A_14] : memref<128x128xf32, #tpu.memory_space<vmem>>, vector<128x128xf32>
    %dot_general3A = arith.constant dense<0.000000e+00> : vector<1000x128xf32>
    %dot_general3A_16 = tpu.matmul %add3A_12, %get3A_15, %dot_general3A {dimension_numbers = #tpu.dot_dimension_numbers<[1], [0], [0], [1], [0, 0, 1, 1], [], []>, transpose_lhs_hint = false} : vector<1000x128xf32>, vector<128x128xf32>, vector<1000x128xf32> -> vector<1000x128xf32>
    %get3A_17 = arith.constant 0 : index
    %get3A_18 = arith.constant 0 : index
    %get3A_19 = vector.load %arg4[%get3A_17, %get3A_18] : memref<1x128xf32, #tpu.memory_space<vmem>>, vector<1x128xf32>
    %add3A_20 = vector.broadcast %get3A_19 : vector<1x128xf32> to vector<1000x128xf32>
    %add3A_21 = arith.addf %dot_general3A_16, %add3A_20 : vector<1000x128xf32>
    %max3A = arith.constant 0.000000e+00 : f32
    %max3A_22 = vector.broadcast %max3A : f32 to vector<1000x128xf32>
    %max3A_23 = arith.maximumf %add3A_21, %max3A_22 : vector<1000x128xf32>
    %swap3A = arith.constant 0 : index
    %swap3A_24 = arith.constant 0 : index
    %swap3A_25 = vector.load %arg5[%swap3A, %swap3A_24] : memref<1000x128xf32, #tpu.memory_space<vmem>>, vector<1000x128xf32>
    tpu.vector_store %arg5[%swap3A, %swap3A_24], %max3A_23 {strides = array<i32>} : memref<1000x128xf32, #tpu.memory_space<vmem>>, vector<1000x128xf32>,
    return
  }
  func.func @transform_0(%arg0: i32) -> (i32, i32) {
    %c0_i32 = arith.constant 0 : i32
    %c0_i32_0 = arith.constant 0 : i32
    return %arg0, %c0_i32 : i32, i32
  }
  func.func @transform_1(%arg0: i32) -> (i32, i32, i32) {
    %c0_i32 = arith.constant 0 : i32
    %c0_i32_0 = arith.constant 0 : i32
    %c0_i32_1 = arith.constant 0 : i32
    return %c0_i32, %arg0, %c0_i32_0 : i32, i32, i32
  }
  func.func @transform_2(%arg0: i32) -> (i32, i32) {
    %c0_i32 = arith.constant 0 : i32
    %c0_i32_0 = arith.constant 0 : i32
    %c0_i32_1 = arith.constant 0 : i32
    return %c0_i32, %c0_i32_0 : i32, i32
  }
  func.func @transform_3(%arg0: i32) -> (i32, i32) {
    %c0_i32 = arith.constant 0 : i32
    %c0_i32_0 = arith.constant 0 : i32
    %c0_i32_1 = arith.constant 0 : i32
    return %c0_i32, %c0_i32_0 : i32, i32
  }
  func.func @transform_4(%arg0: i32) -> (i32, i32) {
    %c0_i32 = arith.constant 0 : i32
    %c0_i32_0 = arith.constant 0 : i32
    return %arg0, %c0_i32 : i32, i32
  }
}

module attributes {stable_mosaic.version = 14 : i64} {
  func.func @_mm2_body(%arg0: i32, %arg1: memref<1000x128xf32, #tpu.memory_space<vmem>>, %arg2: memref<2x1000x128xf32, #tpu.memory_space<vmem>>, %arg3: memref<128x40xf32, #tpu.memory_space<vmem>>, %arg4: memref<1x40xf32, #tpu.memory_space<vmem>>, %arg5: memref<1000x40xf32, #tpu.memory_space<vmem>>) attributes {dimension_semantics = [#tpu.dimension_semantics<arbitrary>], iteration_bounds = array<i64: 10>, scalar_prefetch = 0 : i64, scratch_operands = 0 : i64, tpu.core_type = #tpu.core_type<tc>, window_params = [{transform_indices = @transform_0, window_bounds = array<i64: 1000, 128>}, {transform_indices = @transform_1, window_bounds = array<i64: 2, 1000, 128>}, {pipeline_mode = #tpu.pipeline_mode<synchronous>, transform_indices = @transform_2, window_bounds = array<i64: 128, 40>}, {pipeline_mode = #tpu.pipeline_mode<synchronous>, transform_indices = @transform_3, window_bounds = array<i64: 1, 40>}, {transform_indices = @transform_4, window_bounds = array<i64: 1000, 40>}]} {
    %get3A = arith.constant 0 : index
    %get3A_0 = arith.constant 0 : index
    %get3A_1 = vector.load %arg1[%get3A, %get3A_0] : memref<1000x128xf32, #tpu.memory_space<vmem>>, vector<1000x128xf32>
    %get3A_2 = arith.constant 0 : index
    %get3A_3 = arith.constant 0 : index
    %get3A_4 = arith.constant 0 : index
    %get3A_5 = vector.load %arg2[%get3A_2, %get3A_3, %get3A_4] : memref<2x1000x128xf32, #tpu.memory_space<vmem>>, vector<1x1000x128xf32>
    %get3A_6 = vector.shape_cast %get3A_5 : vector<1x1000x128xf32> to vector<1000x128xf32>
    %add3A = arith.addf %get3A_1, %get3A_6 : vector<1000x128xf32>
    %get3A_7 = arith.constant 1 : index
    %get3A_8 = arith.constant 0 : index
    %get3A_9 = arith.constant 0 : index
    %get3A_10 = vector.load %arg2[%get3A_7, %get3A_8, %get3A_9] : memref<2x1000x128xf32, #tpu.memory_space<vmem>>, vector<1x1000x128xf32>
    %get3A_11 = vector.shape_cast %get3A_10 : vector<1x1000x128xf32> to vector<1000x128xf32>
    %add3A_12 = arith.addf %add3A, %get3A_11 : vector<1000x128xf32>
    %get3A_13 = arith.constant 0 : index
    %get3A_14 = arith.constant 0 : index
    %get3A_15 = vector.load %arg3[%get3A_13, %get3A_14] : memref<128x40xf32, #tpu.memory_space<vmem>>, vector<128x40xf32>
    %dot_general3A = arith.constant dense<0.000000e+00> : vector<1000x40xf32>
    %dot_general3A_16 = tpu.matmul %add3A_12, %get3A_15, %dot_general3A {dimension_numbers = #tpu.dot_dimension_numbers<[1], [0], [0], [1], [0, 0, 1, 1], [], []>, transpose_lhs_hint = false} : vector<1000x128xf32>, vector<128x40xf32>, vector<1000x40xf32> -> vector<1000x40xf32>
    %get3A_17 = arith.constant 0 : index
    %get3A_18 = arith.constant 0 : index
    %get3A_19 = vector.load %arg4[%get3A_17, %get3A_18] : memref<1x40xf32, #tpu.memory_space<vmem>>, vector<1x40xf32>
    %add3A_20 = vector.broadcast %get3A_19 : vector<1x40xf32> to vector<1000x40xf32>
    %add3A_21 = arith.addf %dot_general3A_16, %add3A_20 : vector<1000x40xf32>
    %swap3A = arith.constant 0 : index
    %swap3A_22 = arith.constant 0 : index
    %swap3A_23 = vector.load %arg5[%swap3A, %swap3A_22] : memref<1000x40xf32, #tpu.memory_space<vmem>>, vector<1000x40xf32>
    tpu.vector_store %arg5[%swap3A, %swap3A_22], %add3A_21 {strides = array<i32>} : memref<1000x40xf32, #tpu.memory_space<vmem>>, vector<1000x40xf32>,
    return
  }
  func.func @transform_0(%arg0: i32) -> (i32, i32) {
    %c0_i32 = arith.constant 0 : i32
    %c0_i32_0 = arith.constant 0 : i32
    return %arg0, %c0_i32 : i32, i32
  }
  func.func @transform_1(%arg0: i32) -> (i32, i32, i32) {
    %c0_i32 = arith.constant 0 : i32
    %c0_i32_0 = arith.constant 0 : i32
    %c0_i32_1 = arith.constant 0 : i32
    return %c0_i32, %arg0, %c0_i32_0 : i32, i32, i32
  }
  func.func @transform_2(%arg0: i32) -> (i32, i32) {
    %c0_i32 = arith.constant 0 : i32
    %c0_i32_0 = arith.constant 0 : i32
    %c0_i32_1 = arith.constant 0 : i32
    return %c0_i32, %c0_i32_0 : i32, i32
  }
  func.func @transform_3(%arg0: i32) -> (i32, i32) {
    %c0_i32 = arith.constant 0 : i32
    %c0_i32_0 = arith.constant 0 : i32
    %c0_i32_1 = arith.constant 0 : i32
    return %c0_i32, %c0_i32_0 : i32, i32
  }
  func.func @transform_4(%arg0: i32) -> (i32, i32) {
    %c0_i32 = arith.constant 0 : i32
    %c0_i32_0 = arith.constant 0 : i32
    return %arg0, %c0_i32 : i32, i32
  }
}

</mosaic_0001>

<sc_bundles>
// kernel: kernel.6.cloned.1.call-start
scs
__scs_entry_jumppad:
0x0: {  	(pc) =	sbr.rel $0x88, $3  }
0x1: {  	(tag) =	ssettag $0x0;
	lr =	simm.s32 $0x1  }
0x2: {  	[smem:$0x3F9B] =	sst lr;
	_ =	strace $0xD0000000  }
0x3: {  	_ = 	snop  }
0x4: {  	_ = 	snop  }
0x5: {  	_ = 	snop  }
0x6: {  	_ = 	snop  }
0x7: {  	_ = 	snop  }
__scs_overlays_trampoline_lowered:
0x8: {  	[smem:$0x3FAA] =	sst s0  }
0x9: {  	[smem:$0x3FAB] =	sst s1  }
0xa: {  	[smem:$0x3FAC] =	sst s2  }
0xb: {  	[smem:$0x3FAD] =	sst s3  }
0xc: {  	[smem:$0x3FAE] =	sst s4  }
0xd: {  	[smem:$0x3FAF] =	sst s5  }
0xe: {  	[smem:$0x3FB0] =	sst s6  }
0xf: {  	[smem:$0x3FB1] =	sst s7  }
0x10: {  	[smem:$0x3FB2] =	sst s8  }
0x11: {  	[smem:$0x3FB3] =	sst s9;
	s0 =	simm.s32 @!p0 $0x0  }
0x12: {  	s1 =	sld [smem:$0x3F99];
	s0 =	simm.s32 @p0 $0x1  }
0x13: {  	[smem:$0x3FB4] =	sst s0;
	s0 =	simm.s32 @!p1 $0x0  }
0x14: {  	s2 =	sld [smem:$0x3F98];
	s0 =	simm.s32 @p1 $0x1  }
0x15: {  	[smem:$0x3FB5] =	sst s0;
	s0 =	simm.s32 @!p2 $0x0  }
0x16: {  	s3 =	sld [smem:$0x3FDB];
	s0 =	simm.s32 @p2 $0x1  }
0x17: {  	s4 =	simm.s32 $0x1BF5;
	[smem:$0x3FB7] =	sst s0  }
0x18: {  	s0 =	sld [smem:$0x3F9A];
	_ =	swait.ge [sflag:s4], $0x0  }
0x19: {  	s7 =	sld [smem:$0x3F9B]  }
0x1a: {  	s8 =	sadd.s32 $0xFFFFE003, lr  }
0x1b: {  	s9 =	sadd.s32 $0xFFFFFEF7, lr;
	s5 =	simm.s32 $0xFFFFFFFF;
	p2 =	slt.u32 s8, $0xFFFFF086  }
0x1c: {  	p1 =	slt.u32 s9, $0xF7A;
	s5 =	simm.s32 @!p2 $0x0  }
0x1d: {  	s5 =	simm.s32 @p1 $0x1;
	p0 =	seq.s32 s7, s2  }
0x1e: {  	s7 =	smul.u32 @!p0 $0xF7A, s2;
	p2 =	seq.s32 @!p0 s5, $0x0  }
0x1f: {  	s9 =	smul.u32 $0xF7A, s1;
	s8 =	simm.s32 @!p0 $0x1BF5;
	p2 =	por !p2, p0  }
0x20: {  	[sflag:s8] =	ssyncset.s32 @!p0 $0xFFFFF086;
	s6 =	sadd.s32 @!p0 s3, s7;
	s7 =	simm.s32 @!p0 $0x108  }
0x21: {  	s3 =	sadd.s32 s3, s9;
	s6 =	sadd.s32 @!p0 $0x88, s6;
	s7 =	simm.s32 @p2 $0x1082  }
0x22: {  	[simem:s7], [sflag:s8] =	dma.local @!p0 [hbm:s6], $0xF7A  }
0x23: {  	s9 =	sor.u32 $0xD0000000, s2;
	s6 =	simm.s32 $0x108;
	_ =	swait.ge @!p0 [sflag:s8], $0x0  }
0x24: {  	s3 =	sadd.s32 $0x88, s3;
	s6 =	simm.s32 @!p1 $0x1082;
	[sflag:s4] =	ssyncset.s32 $0xFFFFF086  }
0x25: {  	[simem:s6], [sflag:s4] =	dma.local [hbm:s3], $0xF7A  }
0x26: {  	[smem:$0x3F9B] =	sst s1;
	(tag) =	ssettag s2;
	_ =	strace s9  }
0x27: {  	s1 =	sld [smem:$0x3FAB]  }
0x28: {  	s2 =	sld [smem:$0x3FAC]  }
0x29: {  	s4 =	sld [smem:$0x3FAE]  }
0x2a: {  	p0 =	seq.s32 s5, $0x0;
	s5 =	sld [smem:$0x3FAF]  }
0x2b: {  	s6 =	sld [smem:$0x3FB0]  }
0x2c: {  	s7 =	sld [smem:$0x3FB1]  }
0x2d: {  	s3 =	simm.s32 $0x108;
	s8 =	sld [smem:$0x3FB2]  }
0x2e: {  	s3 =	simm.s32 @!p0 $0x1082;
	s9 =	sld [smem:$0x3FB3]  }
0x2f: {  	lr =	sadd.s32 s0, s3;
	s0 =	sld [smem:$0x3FAA]  }
0x30: {  	s3 =	sld [smem:$0x3FAD]  }
0x31: {  	[smem:$0x3FB6] =	sst s10  }
0x32: {  	s10 =	sld [smem:$0x3FB4];
	_ =	sdelay $0x3  }
0x33: {  	p0 =	seq.s32 s10, $0x1;
	s10 =	sld [smem:$0x3FB6];
	_ =	sdelay $0x3  }
0x34: {  	[smem:$0x3FB6] =	sst s10  }
0x35: {  	s10 =	sld [smem:$0x3FB5];
	_ =	sdelay $0x3  }
0x36: {  	p1 =	seq.s32 s10, $0x1;
	s10 =	sld [smem:$0x3FB6];
	_ =	sdelay $0x3  }
0x37: {  	[smem:$0x3FB6] =	sst s10  }
0x38: {  	s10 =	sld [smem:$0x3FB7]  }
0x39: {  	_ = 	snop;
	(pc) =	sbr.ind lr, $3  }
0x3a: {  	_ = 	snop  }
0x3b: {  	_ = 	snop  }
0x3c: {  	p2 =	seq.s32 s10, $0x1;
	s10 =	sld [smem:$0x3FB6]  }
0x3d: {  	_ =	shalt  }
0x3e: {  	_ =	shalt  }
0x3f: {  	_ =	shalt  }
0x40: {  	_ =	shalt  }
0x41: {  	_ =	shalt  }
0x42: {  	_ =	shalt  }
0x43: {  	_ =	shalt  }
0x44: {  	_ =	shalt  }
0x45: {  	_ =	shalt  }
0x46: {  	_ =	shalt  }
0x47: {  	_ =	shalt  }
0x48: {  	_ =	shalt  }
0x49: {  	_ =	shalt  }
0x4a: {  	_ =	shalt  }
0x4b: {  	_ =	shalt  }
0x4c: {  	_ =	shalt  }
0x4d: {  	_ =	shalt  }
0x4e: {  	_ =	shalt  }
0x4f: {  	_ =	shalt  }
0x50: {  	_ =	shalt  }
0x51: {  	_ =	shalt  }
0x52: {  	_ =	shalt  }
0x53: {  	_ =	shalt  }
0x54: {  	_ =	shalt  }
0x55: {  	_ =	shalt  }
0x56: {  	_ =	shalt  }
0x57: {  	_ =	shalt  }
0x58: {  	_ =	shalt  }
0x59: {  	_ =	shalt  }
0x5a: {  	_ =	shalt  }
0x5b: {  	_ =	shalt  }
0x5c: {  	_ =	shalt  }
0x5d: {  	_ =	shalt  }
0x5e: {  	_ =	shalt  }
0x5f: {  	_ =	shalt  }
0x60: {  	_ =	shalt  }
0x61: {  	_ =	shalt  }
0x62: {  	_ =	shalt  }
0x63: {  	_ =	shalt  }
0x64: {  	_ =	shalt  }
0x65: {  	_ =	shalt  }
0x66: {  	_ =	shalt  }
0x67: {  	_ =	shalt  }
0x68: {  	_ =	shalt  }
0x69: {  	_ =	shalt  }
0x6a: {  	_ =	shalt  }
0x6b: {  	_ =	shalt  }
0x6c: {  	_ =	shalt  }
0x6d: {  	_ =	shalt  }
0x6e: {  	_ =	shalt  }
0x6f: {  	_ =	shalt  }
0x70: {  	_ =	shalt  }
0x71: {  	_ =	shalt  }
0x72: {  	_ =	shalt  }
0x73: {  	_ =	shalt  }
0x74: {  	_ =	shalt  }
0x75: {  	_ =	shalt  }
0x76: {  	_ =	shalt  }
0x77: {  	_ =	shalt  }
0x78: {  	_ =	shalt  }
0x79: {  	_ =	shalt  }
0x7a: {  	_ =	shalt  }
0x7b: {  	_ =	shalt  }
0x7c: {  	_ =	shalt  }
0x7d: {  	_ =	shalt  }
0x7e: {  	_ =	shalt  }
0x7f: {  	_ =	shalt  }
0x80: {  	_ =	shalt  }
0x81: {  	_ =	shalt  }
0x82: {  	_ =	shalt  }
0x83: {  	_ =	shalt  }
0x84: {  	_ =	shalt  }
0x85: {  	_ =	shalt  }
0x86: {  	_ =	shalt  }
0x87: {  	_ =	shalt  }
.Lfunc_end0:
.L_simem_size_0:
called_computation_lowered:
.L_overlay_start_0:
0x88: {  	s2 =	sld [smem:$0x3FD9]  }
0x89: {  	s3 =	sld [smem:$0x3FFE];
	_ =	sdelay $0x1  }
0x8a: {  	s1 =	srdreg.scid  }
0x8b: {  	s0 =	sand.u32 $0x1, s1  }
0x8c: {  	s17 =	sshll.u32 s0, $0xA;
	s2 =	sadd.s32 s3, s2  }
0x8d: {  	s2 =	sadd.s32 s2, s17  }
0x8e: {  	[smem:$0x3FC2] =	sst s2  }
0x8f: {  	_ = 	snop  }
0x90: {  	s2 =	sld [smem:$0x3FC9]  }
0x91: {  	s18 =	sld [smem:$0x3FD0];
	(tm) =	ssettm $0x1  }
0x92: {  	s4 =	sld [smem:$0x3FFB];
	_ =	sdelay $0x3  }
0x93: {  	_ =	strace s4  }
0x94: {  	s4 =	sld [smem:$0x3FFC];
	_ =	sdelay $0x3  }
0x95: {  	_ =	strace s4  }
0x96: {  	s4 =	sld [smem:$0x3FFD];
	_ =	sdelay $0x3  }
0x97: {  	_ =	strace s4  }
0x98: {  	_ =	strace $0x8FFFFFFF  }
0x99: {  	s19 =	sld [smem:$0x3FDB];
	_ =	sdelay $0x1  }
0x9a: {  	s5 =	simm.s32 $_scs_section_size  }
0x9b: {  	s6 =	simm.s32 $_size__tile_overlayer_lowered;
	s7 =	simm.s32 $_tile_overlayer_lowered  }
0x9c: {  	s22 =	simm.s32 $0x1BFF;
	s21 =	sshll.u32 s7, $0x1;
	s4 =	sadd.s32 s5, s19  }
0x9d: {  	s8 =	simm.s32 $0x0;
	s20 =	sshll.u32 s6, $0x1;
	s6 =	sadd.s32 s21, s4  }
0x9e: {  	[timem:s8], [sflag:s22] =	dma.local [hbm:s6], s20  }
0x9f: {  	_ =	swait.ge [sflag:s22], s20  }
0xa0: {  	s5 =	ssub.s32 $0x0, s20;
	[sflag:s22] =	ssyncset.done $0x0  }
0xa1: {  	[sflag:s22] =	ssyncadd.s32 s5;
	_ =	sdelay $0x1  }
0xa2: {  	s23 =	simm.s32 $0x1B8B  }
0xa3: {  	_ =	swait.ge [sflag:s23], $0x1  }
0xa4: {  	[sflag:s23] =	ssyncset.done $0x0  }
0xa5: {  	s25 =	simm.s32 $0x1B8E;
	s24 =	sld [smem:$0x3FFE];
	[sflag:s23] =	ssyncadd.s32 $0xFFFFFFFF  }
0xa6: {  	s26 =	simm.s32 $execute0_lowered;
	[smem:$0x3FD2] =	sst s25  }
0xa7: {  	s6 =	sshll.u32 s26, $0x1;
	_ =	strace $0x80000046;
	[dreg:$0x1] =	wrdreg $0xFFFFFFFF  }
0xa8: {  	s28 =	simm.s32 $_size_execute0_lowered;
	s4 =	sadd.s32 s4, s6;
	[dreg:$0x0] =	wrdreg $0x0  }
0xa9: {  	s6 =	sshll.u32 s28, $0x1;
	[dreg:$0x2] =	wrdreg s4  }
0xaa: {  	[dreg:$0x3] =	wrdreg s6  }
0xab: {  	[dreg:$0x4] =	wrdreg $0xC0  }
0xac: {  	_ =	task [dreg:s8], $0x5FFFF  }
0xad: {  	[dreg:$0x1] =	wrdreg $0xFFFFFFFF  }
0xae: {  	[dreg:$0x0] =	wrdreg $0x60  }
0xaf: {  	[dreg:$0x2] =	wrdreg s2  }
0xb0: {  	[dreg:$0x3] =	wrdreg s18  }
0xb1: {  	[dreg:$0x4] =	wrdreg s24  }
0xb2: {  	[dreg:$0x5] =	wrdreg $0xA8000  }
0xb3: {  	[dreg:$0x6] =	wrdreg $0x9  }
0xb4: {  	_ =	task.clear_ibuf [dreg:s8], $0x7FFFF;
	_ =	strace $0x90000046  }
0xb5: {  	s29 =	simm.s32 $0x9;
	_ =	strace $0x80000048  }
0xb6: {  	_ =	swait.ge [sflag:s29], $0x1  }
0xb7: {  	[sflag:s29] =	ssyncadd.s32 $0xFFFFFFFF  }
0xb8: {  	_ =	strace $0x90000048  }
0xb9: {  	_ =	sfence  }
0xba: {  	s30 =	sld [smem:$0x0];
	_ =	sdelay $0x2  }
0xbb: {  	s31 =	sshll.u32 s1, $0xD;
	s1 =	sshrl.u32 s1, $0x2  }
0xbc: {  	s3 =	sand.u32 $0x4000, s31;
	s1 =	sadd.s32 s1, s30  }
0xbd: {  	s0 =	sor.u32 s3, s0;
	s1 =	sshll.u32 s1, $0x11  }
0xbe: {  	s0 =	sor.u32 s1, s0  }
0xbf: {  	s0 =	sadd.s32 $0x8F2B, s0  }
0xc0: {  	[sflag:s0] =	ssyncadd.remote.s32 $0x1  }
0xc1: {  	_ =	sfence.sel $0xFFFF  }
0xc2: {  	[dreg:$0x0] =	wrdreg $0xFFFFFFFF;
	(pc) =	sbr.abs _section_cstart, $3  }
0xc3: {  	[dreg:$0x1] =	wrdreg $0xFFFFFFFF  }
0xc4: {  	_ =	task.clear_ibuf [dreg:s8], $0x2FFFF;
	_ =	strace $0x9FFFFFFF  }
0xc5: {  	(tm) =	ssettm $0x7FFFFFFF  }
tec
execute0_lowered:
.L_overlay_start_1:
0x0: {  	(tag) =	ssettag $0x1  }
0x1: {  	s1 =	rddreg [dreg:$0x0]  }
0x2: {  	s9 =	rddreg [dreg:$0x1]  }
0x3: {  	s5 =	rddreg [dreg:$0x2]  }
0x4: {  	s3 =	rddreg [dreg:$0x3]  }
0x5: {  	s0 =	rddreg [dreg:$0x4];
	s2 =	stileid.u32  }
0x6: {  	s6 =	srdreg.scid;
	s4 =	simm.s32 $0x0;
	s16 =	simm.s32 $0x80  }
0x7: {  	s17 =	simm.s32 $0x2800;
	s18 =	simm.s32 $0x6800;
	s19 =	simm.s32 $0x1  }
0x8: {  	s20 =	simm.s32 $0x2;
	s21 =	simm.s32 $0x1380;
	s7 =	smul.u32 $0x13C00, s2  }
0x9: {  	s22 =	simm.s32 $0x2700;
	s23 =	simm.s32 $0x2780;
	s11 =	smul.u32 $0x4F000, s2  }
0xa: {  	s6 =	sand.u32 $0x1, s6;
	[smem:$0x7FF] =	sst s4;
	s13 =	smul.u32 $0x2800, s2  }
0xb: {  	s10 =	sadd.s32 $0x1800, s5;
	s30 =	sshll.u32 s2, $0x6;
	s8 =	smul.u32 $0x13C000, s6  }
0xc: {  	_ =	strace $0x80000047;
	s24 =	smul.u32 $0x28000, s6;
	s6 =	ssub.s32 $0x2, s6  }
0xd: {  	s12 =	sshrl.u32 s7, $0x3;
	s25 =	sshrl.u32 s6, $0x1;
	s26 =	sshrl.u32 s11, $0x2  }
0xe: {  	s7 =	sadd.s32 s7, s8;
	s12 =	sadd.s32 s12, s5;
	s15 =	ssub.s32 s6, s25  }
0xf: {  	s28 =	sadd.s32 s13, s24;
	s29 =	sadd.s32 s26, s3;
	s6 =	sor.u32 $0x1C03, s30  }
0x10: {  	s24 =	simm.s32 $0x0;
	s7 =	sshrl.u32 s7, $0x3;
	s8 =	sshrl.u32 s28, $0x3  }
0x11: {  	s13 =	sshrl.u32 s29, $0x3;
	s14 =	sadd.s32 s7, s5;
	s5 =	sadd.s32 $0xB800, s12  }
0x12: {  	s31 =	sadd.s32 $0x280, s8;
	s7 =	sadd.s32 s9, s8;
	s8 =	sadd.s32 s10, s8  }
0x13: {  	s12 =	smax.u32 s15, $0x1;
	s15 =	simm.s32 $0x1400;
	s9 =	sadd.s32 s9, s31  }
0x14: {  	s10 =	sadd.s32 s10, s31;
	s11 =	sadd.s32 $0x33000, s14;
	s14 =	simm.s32 $0x3  }
.LBB2_1:
0x15: {  	[spmem:s13], [sflag:s6] =	dma.local [hbm:s5], $0x2780  }
0x16: {  	_ =	swait.ge [sflag:s14], $0x2780  }
0x17: {  	[sflag:s14] =	ssyncset.done $0x0  }
0x18: {  	[sflag:s14] =	ssyncadd.s32 $0xFFFFD880  }
0x19: {  	[bflag:$0x0] =	sbarrier.arrive $0xFFFF  }
0x1a: {  	[tilespmem:s4], [sflag:$0x3] =	stream.linear.gather [hbm4b:s7+s4], $0x1400, $0x38;
	[tilespmem:$0x1E400] =	vst v63  }
0x1b: {  	_ =	swait.ge [sflag:s14], $0x1400  }
0x1c: {  	[sflag:s14] =	ssyncset.done $0x0  }
0x1d: {  	[sflag:s14] =	ssyncadd.s32 $0xFFFFEC00  }
0x1e: {  	[tilespmem:s15], [sflag:$0x3] =	stream.linear.gather [hbm4b:s8+s4], $0x1400, $0x38;
	[tilespmem:$0x1E400] =	vst v63  }
0x1f: {  	_ =	swait.ge [sflag:s14], $0x1400  }
0x20: {  	[sflag:s14] =	ssyncset.done $0x0  }
0x21: {  	[sflag:s14] =	ssyncadd.s32 $0xFFFFEC00  }
0x22: {  	[tilespmem:s17], [sflag:$0x1] =	stream.indirect.gather [hbm4b:s1+s16], $0x80, s4, s16, $0xb8;
	[tilespmem:$0x1E400] =	vst v63  }
0x23: {  	s25 =	simm.s32 $0x80  }
0x24: {  	[tilespmem:s18], [sflag:$0x2] =	stream.indirect.gather [hbm4b:s1+s16], $0x80, s25, s16, $0xb8;
	[tilespmem:$0x1E400] =	vst v63  }
0x25: {  	_ =	swait.ge [sflag:s19], $0x4000  }
0x26: {  	[sflag:s19] =	ssyncset.done $0x0  }
0x27: {  	s29 =	simm.s32 $0x1400;
	[sflag:s19] =	ssyncadd.s32 $0xFFFFC000  }
0x28: {  	[spmem:s3] =	stream.indirect.scatter.add.f32 [tilespmem:s17], [sflag:$0x3], $0x80, s29, s16, $0xb8;
	[tilespmem:$0x1E400] =	vst v63  }
0x29: {  	_ =	swait.ge [sflag:s14], $0x4000  }
0x2a: {  	[sflag:s14] =	ssyncset.done $0x0  }
0x2b: {  	s30 =	simm.s32 $0x100;
	[sflag:s14] =	ssyncadd.s32 $0xFFFFC000  }
0x2c: {  	[tilespmem:s17], [sflag:$0x1] =	stream.indirect.gather [hbm4b:s1+s16], $0x80, s30, s16, $0xb8;
	[tilespmem:$0x1E400] =	vst v63  }
0x2d: {  	_ =	swait.ge [sflag:s20], $0x4000  }
0x2e: {  	[sflag:s20] =	ssyncset.done $0x0  }
0x2f: {  	s31 =	simm.s32 $0x1480;
	[sflag:s20] =	ssyncadd.s32 $0xFFFFC000  }
0x30: {  	[spmem:s3] =	stream.indirect.scatter.add.f32 [tilespmem:s18], [sflag:$0x3], $0x80, s31, s16, $0xb8;
	[tilespmem:$0x1E400] =	vst v63  }
0x31: {  	_ =	swait.ge [sflag:s14], $0x4000  }
0x32: {  	s26 =	simm.s32 $0x800;
	s25 =	simm.s32 $0x100;
	[sflag:s14] =	ssyncset.done $0x0  }
.LBB2_2:
0x33: {  	s28 =	sadd.s32 $0x80, s25  }
0x34: {  	[sflag:s14] =	ssyncadd.s32 $0xFFFFC000;
	s29 =	smov.u32 s26;
	s30 =	sadd.s32 $0x400, s26  }
0x35: {  	[tilespmem:s18], [sflag:$0x2] =	stream.indirect.gather [hbm4b:s1+s16], $0x80, s28, s16, $0xb8;
	[tilespmem:$0x1E400] =	vst v63  }
0x36: {  	p0 =	sne.s32 s26, $0x4800;
	_ =	swait.ge [sflag:s19], $0x4000  }
0x37: {  	[sflag:s19] =	ssyncset.done $0x0  }
0x38: {  	s26 =	sadd.s32 $0x1400, s25;
	[sflag:s19] =	ssyncadd.s32 $0xFFFFC000  }
0x39: {  	[spmem:s3] =	stream.indirect.scatter.add.f32 [tilespmem:s17], [sflag:$0x3], $0x80, s26, s16, $0xb8;
	[tilespmem:$0x1E400] =	vst v63  }
0x3a: {  	_ =	swait.ge [sflag:s14], $0x4000  }
0x3b: {  	[sflag:s14] =	ssyncset.done $0x0  }
0x3c: {  	s26 =	sadd.s32 $0x100, s25;
	[sflag:s14] =	ssyncadd.s32 $0xFFFFC000  }
0x3d: {  	[tilespmem:s17], [sflag:$0x1] =	stream.indirect.gather [hbm4b:s1+s16], $0x80, s26, s16, $0xb8;
	[tilespmem:$0x1E400] =	vst v63  }
0x3e: {  	_ =	swait.ge [sflag:s20], $0x4000  }
.Ltmp0:
0x3f: {  	[sflag:s20] =	ssyncset.done $0x0;
	(pc) =	sbr.rel @p0 .LBB2_2-.Ltmp0, $4  }
0x40: {  	s25 =	sadd.s32 $0x1480, s25;
	[sflag:s20] =	ssyncadd.s32 $0xFFFFC000  }
0x41: {  	[spmem:s3] =	stream.indirect.scatter.add.f32 [tilespmem:s18], [sflag:$0x3], $0x80, s25, s16, $0xb8;
	[tilespmem:$0x1E400] =	vst v63  }
0x42: {  	_ =	swait.ge [sflag:s14], $0x4000  }
0x43: {  	s26 =	smov.u32 s30;
	s25 =	sshra.s32 s29, $0x2;
	[sflag:s14] =	ssyncset.done $0x0  }
0x44: {  	s26 =	sadd.s32 $0x80, s25;
	[sflag:s14] =	ssyncadd.s32 $0xFFFFC000  }
0x45: {  	[tilespmem:s18], [sflag:$0x2] =	stream.indirect.gather [hbm4b:s1+s16], $0x80, s26, s16, $0xb8;
	[tilespmem:$0x1E400] =	vst v63  }
0x46: {  	_ =	swait.ge [sflag:s19], $0x4000  }
0x47: {  	[sflag:s19] =	ssyncset.done $0x0  }
0x48: {  	s29 =	sadd.s32 $0x1400, s25;
	[sflag:s19] =	ssyncadd.s32 $0xFFFFC000  }
0x49: {  	[spmem:s3] =	stream.indirect.scatter.add.f32 [tilespmem:s17], [sflag:$0x3], $0x80, s29, s16, $0xb8;
	[tilespmem:$0x1E400] =	vst v63  }
0x4a: {  	_ =	swait.ge [sflag:s14], $0x4000  }
0x4b: {  	[sflag:s14] =	ssyncset.done $0x0  }
0x4c: {  	s30 =	sadd.s32 $0x100, s25;
	[sflag:s14] =	ssyncadd.s32 $0xFFFFC000  }
0x4d: {  	[tilespmem:s17], [sflag:$0x1] =	stream.indirect.gather [hbm4b:s1+s16], $0x80, s30, s16, $0xb8;
	[tilespmem:$0x1E400] =	vst v63  }
0x4e: {  	_ =	swait.ge [sflag:s20], $0x4000  }
0x4f: {  	[sflag:s20] =	ssyncset.done $0x0  }
0x50: {  	s31 =	sadd.s32 $0x1480, s25;
	[sflag:s20] =	ssyncadd.s32 $0xFFFFC000  }
0x51: {  	[spmem:s3] =	stream.indirect.scatter.add.f32 [tilespmem:s18], [sflag:$0x3], $0x80, s31, s16, $0xb8;
	[tilespmem:$0x1E400] =	vst v63  }
0x52: {  	_ =	swait.ge [sflag:s14], $0x4000  }
0x53: {  	[sflag:s14] =	ssyncset.done $0x0  }
0x54: {  	[sflag:s14] =	ssyncadd.s32 $0xFFFFC000  }
0x55: {  	[tilespmem:s18], [sflag:$0x2] =	stream.indirect.gather [hbm4b:s1+s16], $0x80, s21, s16, $0xb8;
	[tilespmem:$0x1E400] =	vst v63  }
0x56: {  	_ =	swait.ge [sflag:s19], $0x4000  }
0x57: {  	[sflag:s19] =	ssyncset.done $0x0  }
0x58: {  	[sflag:s19] =	ssyncadd.s32 $0xFFFFC000  }
0x59: {  	[spmem:s3] =	stream.indirect.scatter.add.f32 [tilespmem:s17], [sflag:$0x3], $0x80, s22, s16, $0xb8;
	[tilespmem:$0x1E400] =	vst v63  }
0x5a: {  	_ =	swait.ge [sflag:s14], $0x4000  }
0x5b: {  	[sflag:s14] =	ssyncset.done $0x0  }
0x5c: {  	[sflag:s14] =	ssyncadd.s32 $0xFFFFC000  }
0x5d: {  	_ =	swait.ge [sflag:s20], $0x4000  }
0x5e: {  	[sflag:s20] =	ssyncset.done $0x0  }
0x5f: {  	[sflag:s20] =	ssyncadd.s32 $0xFFFFC000  }
0x60: {  	[spmem:s3] =	stream.indirect.scatter.add.f32 [tilespmem:s18], [sflag:$0x3], $0x80, s23, s16, $0xb8;
	[tilespmem:$0x1E400] =	vst v63  }
0x61: {  	_ =	swait.ge [sflag:s14], $0x4000  }
0x62: {  	[sflag:s14] =	ssyncset.done $0x0  }
0x63: {  	s26 =	simm.s32 $0x0;
	[sflag:s14] =	ssyncadd.s32 $0xFFFFC000  }
0x64: {  	[tilespmem:s26], [sflag:$0x3] =	stream.linear.gather [hbm4b:s9+s26], $0x1400, $0x38;
	[tilespmem:$0x1E400] =	vst v63  }
0x65: {  	_ =	swait.ge [sflag:s14], $0x1400  }
0x66: {  	[sflag:s14] =	ssyncset.done $0x0  }
0x67: {  	[sflag:s14] =	ssyncadd.s32 $0xFFFFEC00  }
0x68: {  	[tilespmem:s15], [sflag:$0x3] =	stream.linear.gather [hbm4b:s10+s26], $0x1400, $0x38;
	[tilespmem:$0x1E400] =	vst v63  }
0x69: {  	_ =	swait.ge [sflag:s14], $0x1400  }
0x6a: {  	[sflag:s14] =	ssyncset.done $0x0  }
0x6b: {  	[sflag:s14] =	ssyncadd.s32 $0xFFFFEC00  }
0x6c: {  	[tilespmem:s17], [sflag:$0x1] =	stream.indirect.gather [hbm4b:s1+s16], $0x80, s26, s16, $0xb8;
	[tilespmem:$0x1E400] =	vst v63  }
0x6d: {  	s28 =	simm.s32 $0x80  }
0x6e: {  	[tilespmem:s18], [sflag:$0x2] =	stream.indirect.gather [hbm4b:s1+s16], $0x80, s28, s16, $0xb8;
	[tilespmem:$0x1E400] =	vst v63  }
0x6f: {  	_ =	swait.ge [sflag:s19], $0x4000  }
0x70: {  	[sflag:s19] =	ssyncset.done $0x0  }
0x71: {  	s29 =	simm.s32 $0x1400;
	[sflag:s19] =	ssyncadd.s32 $0xFFFFC000  }
0x72: {  	[spmem:s3] =	stream.indirect.scatter.add.f32 [tilespmem:s17], [sflag:$0x3], $0x80, s29, s16, $0xb8;
	[tilespmem:$0x1E400] =	vst v63  }
0x73: {  	_ =	swait.ge [sflag:s14], $0x4000  }
0x74: {  	[sflag:s14] =	ssyncset.done $0x0  }
0x75: {  	s30 =	simm.s32 $0x100;
	[sflag:s14] =	ssyncadd.s32 $0xFFFFC000  }
0x76: {  	[tilespmem:s17], [sflag:$0x1] =	stream.indirect.gather [hbm4b:s1+s16], $0x80, s30, s16, $0xb8;
	[tilespmem:$0x1E400] =	vst v63  }
0x77: {  	_ =	swait.ge [sflag:s20], $0x4000  }
0x78: {  	[sflag:s20] =	ssyncset.done $0x0  }
0x79: {  	s31 =	simm.s32 $0x1480;
	[sflag:s20] =	ssyncadd.s32 $0xFFFFC000  }
0x7a: {  	[spmem:s3] =	stream.indirect.scatter.add.f32 [tilespmem:s18], [sflag:$0x3], $0x80, s31, s16, $0xb8;
	[tilespmem:$0x1E400] =	vst v63  }
0x7b: {  	_ =	swait.ge [sflag:s14], $0x4000  }
0x7c: {  	s25 =	simm.s32 $0x100;
	s26 =	simm.s32 $0x800;
	[sflag:s14] =	ssyncset.done $0x0  }
.LBB2_4:
0x7d: {  	s28 =	sadd.s32 $0x80, s25  }
0x7e: {  	[sflag:s14] =	ssyncadd.s32 $0xFFFFC000;
	s29 =	smov.u32 s26;
	s30 =	sadd.s32 $0x400, s26  }
0x7f: {  	[tilespmem:s18], [sflag:$0x2] =	stream.indirect.gather [hbm4b:s1+s16], $0x80, s28, s16, $0xb8;
	[tilespmem:$0x1E400] =	vst v63  }
0x80: {  	p0 =	sne.s32 s26, $0x4800;
	_ =	swait.ge [sflag:s19], $0x4000  }
0x81: {  	[sflag:s19] =	ssyncset.done $0x0  }
0x82: {  	s26 =	sadd.s32 $0x1400, s25;
	[sflag:s19] =	ssyncadd.s32 $0xFFFFC000  }
0x83: {  	[spmem:s3] =	stream.indirect.scatter.add.f32 [tilespmem:s17], [sflag:$0x3], $0x80, s26, s16, $0xb8;
	[tilespmem:$0x1E400] =	vst v63  }
0x84: {  	_ =	swait.ge [sflag:s14], $0x4000  }
0x85: {  	[sflag:s14] =	ssyncset.done $0x0  }
0x86: {  	s26 =	sadd.s32 $0x100, s25;
	[sflag:s14] =	ssyncadd.s32 $0xFFFFC000  }
0x87: {  	[tilespmem:s17], [sflag:$0x1] =	stream.indirect.gather [hbm4b:s1+s16], $0x80, s26, s16, $0xb8;
	[tilespmem:$0x1E400] =	vst v63  }
0x88: {  	_ =	swait.ge [sflag:s20], $0x4000  }
.Ltmp1:
0x89: {  	[sflag:s20] =	ssyncset.done $0x0;
	(pc) =	sbr.rel @p0 .LBB2_4-.Ltmp1, $4  }
0x8a: {  	s25 =	sadd.s32 $0x1480, s25;
	[sflag:s20] =	ssyncadd.s32 $0xFFFFC000  }
0x8b: {  	[spmem:s3] =	stream.indirect.scatter.add.f32 [tilespmem:s18], [sflag:$0x3], $0x80, s25, s16, $0xb8;
	[tilespmem:$0x1E400] =	vst v63  }
0x8c: {  	_ =	swait.ge [sflag:s14], $0x4000  }
0x8d: {  	s26 =	smov.u32 s30;
	s25 =	sshra.s32 s29, $0x2;
	[sflag:s14] =	ssyncset.done $0x0  }
0x8e: {  	s26 =	sadd.s32 $0x80, s25;
	[sflag:s14] =	ssyncadd.s32 $0xFFFFC000  }
0x8f: {  	[tilespmem:s18], [sflag:$0x2] =	stream.indirect.gather [hbm4b:s1+s16], $0x80, s26, s16, $0xb8;
	[tilespmem:$0x1E400] =	vst v63  }
0x90: {  	_ =	swait.ge [sflag:s19], $0x4000  }
0x91: {  	[sflag:s19] =	ssyncset.done $0x0  }
0x92: {  	s29 =	sadd.s32 $0x1400, s25;
	[sflag:s19] =	ssyncadd.s32 $0xFFFFC000  }
0x93: {  	[spmem:s3] =	stream.indirect.scatter.add.f32 [tilespmem:s17], [sflag:$0x3], $0x80, s29, s16, $0xb8;
	[tilespmem:$0x1E400] =	vst v63  }
0x94: {  	_ =	swait.ge [sflag:s14], $0x4000  }
0x95: {  	[sflag:s14] =	ssyncset.done $0x0  }
0x96: {  	s30 =	sadd.s32 $0x100, s25;
	[sflag:s14] =	ssyncadd.s32 $0xFFFFC000  }
0x97: {  	[tilespmem:s17], [sflag:$0x1] =	stream.indirect.gather [hbm4b:s1+s16], $0x80, s30, s16, $0xb8;
	[tilespmem:$0x1E400] =	vst v63  }
0x98: {  	_ =	swait.ge [sflag:s20], $0x4000  }
0x99: {  	[sflag:s20] =	ssyncset.done $0x0  }
0x9a: {  	s31 =	sadd.s32 $0x1480, s25;
	[sflag:s20] =	ssyncadd.s32 $0xFFFFC000  }
0x9b: {  	[spmem:s3] =	stream.indirect.scatter.add.f32 [tilespmem:s18], [sflag:$0x3], $0x80, s31, s16, $0xb8;
	[tilespmem:$0x1E400] =	vst v63  }
0x9c: {  	_ =	swait.ge [sflag:s14], $0x4000  }
0x9d: {  	[sflag:s14] =	ssyncset.done $0x0  }
0x9e: {  	[sflag:s14] =	ssyncadd.s32 $0xFFFFC000  }
0x9f: {  	[tilespmem:s18], [sflag:$0x2] =	stream.indirect.gather [hbm4b:s1+s16], $0x80, s21, s16, $0xb8;
	[tilespmem:$0x1E400] =	vst v63  }
0xa0: {  	_ =	swait.ge [sflag:s19], $0x4000  }
0xa1: {  	[sflag:s19] =	ssyncset.done $0x0  }
0xa2: {  	[sflag:s19] =	ssyncadd.s32 $0xFFFFC000  }
0xa3: {  	[spmem:s3] =	stream.indirect.scatter.add.f32 [tilespmem:s17], [sflag:$0x3], $0x80, s22, s16, $0xb8;
	[tilespmem:$0x1E400] =	vst v63  }
0xa4: {  	_ =	swait.ge [sflag:s14], $0x4000  }
0xa5: {  	[sflag:s14] =	ssyncset.done $0x0  }
0xa6: {  	[sflag:s14] =	ssyncadd.s32 $0xFFFFC000  }
0xa7: {  	_ =	swait.ge [sflag:s20], $0x4000  }
0xa8: {  	[sflag:s20] =	ssyncset.done $0x0  }
0xa9: {  	[sflag:s20] =	ssyncadd.s32 $0xFFFFC000  }
0xaa: {  	[spmem:s3] =	stream.indirect.scatter.add.f32 [tilespmem:s18], [sflag:$0x3], $0x80, s23, s16, $0xb8;
	[tilespmem:$0x1E400] =	vst v63  }
0xab: {  	_ =	swait.ge [sflag:s14], $0x4000  }
0xac: {  	s24 =	sadd.s32 $0x1, s24;
	[sflag:s14] =	ssyncset.done $0x0  }
0xad: {  	p0 =	sne.s32 s24, s12;
	[sflag:s14] =	ssyncadd.s32 $0xFFFFC000  }
.Ltmp2:
0xae: {  	[bflag:$0x0] =	sbarrier.arrive $0xFFFF;
	(pc) =	sbr.rel @p0 .LBB2_1-.Ltmp2, $4  }
0xaf: {  	[hbm:s11], [sflag:s6] =	dma.local [spmem:s13], $0x2780  }
0xb0: {  	_ =	swait.ge [sflag:s14], $0x2780  }
0xb1: {  	[sflag:s14] =	ssyncset.done $0x0  }
0xb2: {  	[sflag:s14] =	ssyncadd.s32 $0xFFFFD880  }
0xb3: {  	_ =	sfence.sel $0x180000  }
0xb4: {  	[bflag:$0x0] =	sbarrier.arrive $0xFFFF  }
0xb5: {  	p0 =	sne.s32 s2, $0x0;
	_ =	strace $0x90000047  }
0xb6: {  	s0 =	sadd.s32 @!p0 $0x100000, s0;
	[bflag:$0x2] =	sbarrier.arrive $0xFFFF  }
0xb7: {  	[sflag:s0] =	ssyncadd.tile.s32 @!p0 $0x1;
	_ =	shalt  }
.Lfunc_end2:
_tile_overlayer_lowered:
.L_overlay_start_2:
0xb8: {  	(tag) =	ssettag $0x2  }
0xb9: {  	s0 =	rddreg [dreg:$0x0];
	s2 =	stileid.u32  }
0xba: {  	s1 =	rddreg [dreg:$0x1];
	p0 =	sne.s32 s2, $0x0  }
0xbb: {  	s3 =	rddreg [dreg:$0x2];
	[bflag:$0x3] =	sbarrier.arrive $0xFFFF;
	s2 =	simm.s32 @!p0 $0x1C03  }
0xbc: {  	[timem:s3], [sflag:s2] =	dma.local @!p0 [hbm:s0], s1  }
0xbd: {  	s0 =	simm.s32 @!p0 $0x3  }
0xbe: {  	_ =	swait.ge @!p0 [sflag:s0], s1  }
0xbf: {  	s1 =	ssub.s32 @!p0 $0x0, s1;
	[sflag:s0] =	ssyncset.done @!p0 $0x0  }
0xc0: {  	[sflag:s0] =	ssyncadd.s32 @!p0 s1  }
0xc1: {  	[bflag:$0x3] =	sbarrier.arrive $0xFFFF  }
0xc2: {  	_ =	shalt  }

// kernel: kernel.9.cloned.1.call-start
scs
__scs_entry_jumppad:
0x0: {  	(pc) =	sbr.rel $0x88, $3  }
0x1: {  	(tag) =	ssettag $0x0;
	lr =	simm.s32 $0x1  }
0x2: {  	[smem:$0x3F9B] =	sst lr;
	_ =	strace $0xD0000000  }
0x3: {  	_ = 	snop  }
0x4: {  	_ = 	snop  }
0x5: {  	_ = 	snop  }
0x6: {  	_ = 	snop  }
0x7: {  	_ = 	snop  }
__scs_overlays_trampoline_lowered:
0x8: {  	[smem:$0x3FAA] =	sst s0  }
0x9: {  	[smem:$0x3FAB] =	sst s1  }
0xa: {  	[smem:$0x3FAC] =	sst s2  }
0xb: {  	[smem:$0x3FAD] =	sst s3  }
0xc: {  	[smem:$0x3FAE] =	sst s4  }
0xd: {  	[smem:$0x3FAF] =	sst s5  }
0xe: {  	[smem:$0x3FB0] =	sst s6  }
0xf: {  	[smem:$0x3FB1] =	sst s7  }
0x10: {  	[smem:$0x3FB2] =	sst s8  }
0x11: {  	[smem:$0x3FB3] =	sst s9;
	s0 =	simm.s32 @!p0 $0x0  }
0x12: {  	s1 =	sld [smem:$0x3F99];
	s0 =	simm.s32 @p0 $0x1  }
0x13: {  	[smem:$0x3FB4] =	sst s0;
	s0 =	simm.s32 @!p1 $0x0  }
0x14: {  	s2 =	sld [smem:$0x3F98];
	s0 =	simm.s32 @p1 $0x1  }
0x15: {  	[smem:$0x3FB5] =	sst s0;
	s0 =	simm.s32 @!p2 $0x0  }
0x16: {  	s3 =	sld [smem:$0x3FDB];
	s0 =	simm.s32 @p2 $0x1  }
0x17: {  	s4 =	simm.s32 $0x1BF5;
	[smem:$0x3FB7] =	sst s0  }
0x18: {  	s0 =	sld [smem:$0x3F9A];
	_ =	swait.ge [sflag:s4], $0x0  }
0x19: {  	s7 =	sld [smem:$0x3F9B]  }
0x1a: {  	s8 =	sadd.s32 $0xFFFFE003, lr  }
0x1b: {  	s9 =	sadd.s32 $0xFFFFFEF7, lr;
	s5 =	simm.s32 $0xFFFFFFFF;
	p2 =	slt.u32 s8, $0xFFFFF086  }
0x1c: {  	p1 =	slt.u32 s9, $0xF7A;
	s5 =	simm.s32 @!p2 $0x0  }
0x1d: {  	s5 =	simm.s32 @p1 $0x1;
	p0 =	seq.s32 s7, s2  }
0x1e: {  	s7 =	smul.u32 @!p0 $0xF7A, s2;
	p2 =	seq.s32 @!p0 s5, $0x0  }
0x1f: {  	s9 =	smul.u32 $0xF7A, s1;
	s8 =	simm.s32 @!p0 $0x1BF5;
	p2 =	por !p2, p0  }
0x20: {  	[sflag:s8] =	ssyncset.s32 @!p0 $0xFFFFF086;
	s6 =	sadd.s32 @!p0 s3, s7;
	s7 =	simm.s32 @!p0 $0x108  }
0x21: {  	s3 =	sadd.s32 s3, s9;
	s6 =	sadd.s32 @!p0 $0x88, s6;
	s7 =	simm.s32 @p2 $0x1082  }
0x22: {  	[simem:s7], [sflag:s8] =	dma.local @!p0 [hbm:s6], $0xF7A  }
0x23: {  	s9 =	sor.u32 $0xD0000000, s2;
	s6 =	simm.s32 $0x108;
	_ =	swait.ge @!p0 [sflag:s8], $0x0  }
0x24: {  	s3 =	sadd.s32 $0x88, s3;
	s6 =	simm.s32 @!p1 $0x1082;
	[sflag:s4] =	ssyncset.s32 $0xFFFFF086  }
0x25: {  	[simem:s6], [sflag:s4] =	dma.local [hbm:s3], $0xF7A  }
0x26: {  	[smem:$0x3F9B] =	sst s1;
	(tag) =	ssettag s2;
	_ =	strace s9  }
0x27: {  	s1 =	sld [smem:$0x3FAB]  }
0x28: {  	s2 =	sld [smem:$0x3FAC]  }
0x29: {  	s4 =	sld [smem:$0x3FAE]  }
0x2a: {  	p0 =	seq.s32 s5, $0x0;
	s5 =	sld [smem:$0x3FAF]  }
0x2b: {  	s6 =	sld [smem:$0x3FB0]  }
0x2c: {  	s7 =	sld [smem:$0x3FB1]  }
0x2d: {  	s3 =	simm.s32 $0x108;
	s8 =	sld [smem:$0x3FB2]  }
0x2e: {  	s3 =	simm.s32 @!p0 $0x1082;
	s9 =	sld [smem:$0x3FB3]  }
0x2f: {  	lr =	sadd.s32 s0, s3;
	s0 =	sld [smem:$0x3FAA]  }
0x30: {  	s3 =	sld [smem:$0x3FAD]  }
0x31: {  	[smem:$0x3FB6] =	sst s10  }
0x32: {  	s10 =	sld [smem:$0x3FB4];
	_ =	sdelay $0x3  }
0x33: {  	p0 =	seq.s32 s10, $0x1;
	s10 =	sld [smem:$0x3FB6];
	_ =	sdelay $0x3  }
0x34: {  	[smem:$0x3FB6] =	sst s10  }
0x35: {  	s10 =	sld [smem:$0x3FB5];
	_ =	sdelay $0x3  }
0x36: {  	p1 =	seq.s32 s10, $0x1;
	s10 =	sld [smem:$0x3FB6];
	_ =	sdelay $0x3  }
0x37: {  	[smem:$0x3FB6] =	sst s10  }
0x38: {  	s10 =	sld [smem:$0x3FB7]  }
0x39: {  	_ = 	snop;
	(pc) =	sbr.ind lr, $3  }
0x3a: {  	_ = 	snop  }
0x3b: {  	_ = 	snop  }
0x3c: {  	p2 =	seq.s32 s10, $0x1;
	s10 =	sld [smem:$0x3FB6]  }
0x3d: {  	_ =	shalt  }
0x3e: {  	_ =	shalt  }
0x3f: {  	_ =	shalt  }
0x40: {  	_ =	shalt  }
0x41: {  	_ =	shalt  }
0x42: {  	_ =	shalt  }
0x43: {  	_ =	shalt  }
0x44: {  	_ =	shalt  }
0x45: {  	_ =	shalt  }
0x46: {  	_ =	shalt  }
0x47: {  	_ =	shalt  }
0x48: {  	_ =	shalt  }
0x49: {  	_ =	shalt  }
0x4a: {  	_ =	shalt  }
0x4b: {  	_ =	shalt  }
0x4c: {  	_ =	shalt  }
0x4d: {  	_ =	shalt  }
0x4e: {  	_ =	shalt  }
0x4f: {  	_ =	shalt  }
0x50: {  	_ =	shalt  }
0x51: {  	_ =	shalt  }
0x52: {  	_ =	shalt  }
0x53: {  	_ =	shalt  }
0x54: {  	_ =	shalt  }
0x55: {  	_ =	shalt  }
0x56: {  	_ =	shalt  }
0x57: {  	_ =	shalt  }
0x58: {  	_ =	shalt  }
0x59: {  	_ =	shalt  }
0x5a: {  	_ =	shalt  }
0x5b: {  	_ =	shalt  }
0x5c: {  	_ =	shalt  }
0x5d: {  	_ =	shalt  }
0x5e: {  	_ =	shalt  }
0x5f: {  	_ =	shalt  }
0x60: {  	_ =	shalt  }
0x61: {  	_ =	shalt  }
0x62: {  	_ =	shalt  }
0x63: {  	_ =	shalt  }
0x64: {  	_ =	shalt  }
0x65: {  	_ =	shalt  }
0x66: {  	_ =	shalt  }
0x67: {  	_ =	shalt  }
0x68: {  	_ =	shalt  }
0x69: {  	_ =	shalt  }
0x6a: {  	_ =	shalt  }
0x6b: {  	_ =	shalt  }
0x6c: {  	_ =	shalt  }
0x6d: {  	_ =	shalt  }
0x6e: {  	_ =	shalt  }
0x6f: {  	_ =	shalt  }
0x70: {  	_ =	shalt  }
0x71: {  	_ =	shalt  }
0x72: {  	_ =	shalt  }
0x73: {  	_ =	shalt  }
0x74: {  	_ =	shalt  }
0x75: {  	_ =	shalt  }
0x76: {  	_ =	shalt  }
0x77: {  	_ =	shalt  }
0x78: {  	_ =	shalt  }
0x79: {  	_ =	shalt  }
0x7a: {  	_ =	shalt  }
0x7b: {  	_ =	shalt  }
0x7c: {  	_ =	shalt  }
0x7d: {  	_ =	shalt  }
0x7e: {  	_ =	shalt  }
0x7f: {  	_ =	shalt  }
0x80: {  	_ =	shalt  }
0x81: {  	_ =	shalt  }
0x82: {  	_ =	shalt  }
0x83: {  	_ =	shalt  }
0x84: {  	_ =	shalt  }
0x85: {  	_ =	shalt  }
0x86: {  	_ =	shalt  }
0x87: {  	_ =	shalt  }
.Lfunc_end0:
.L_simem_size_0:
called_computation.1_lowered:
.L_overlay_start_0:
0x88: {  	s2 =	sld [smem:$0x3FD9]  }
0x89: {  	s3 =	sld [smem:$0x3FFE];
	_ =	sdelay $0x1  }
0x8a: {  	s1 =	srdreg.scid  }
0x8b: {  	s0 =	sand.u32 $0x1, s1  }
0x8c: {  	s17 =	sshll.u32 s0, $0xA;
	s2 =	sadd.s32 s3, s2  }
0x8d: {  	s2 =	sadd.s32 s2, s17  }
0x8e: {  	[smem:$0x3FC2] =	sst s2  }
0x8f: {  	_ = 	snop  }
0x90: {  	s2 =	sld [smem:$0x3FD0];
	(tm) =	ssettm $0x1  }
0x91: {  	s18 =	sld [smem:$0x3FFB];
	_ =	sdelay $0x3  }
0x92: {  	_ =	strace s18  }
0x93: {  	s3 =	sld [smem:$0x3FFC];
	_ =	sdelay $0x3  }
0x94: {  	_ =	strace s3  }
0x95: {  	s3 =	sld [smem:$0x3FFD];
	_ =	sdelay $0x3  }
0x96: {  	_ =	strace s3  }
0x97: {  	_ =	strace $0x8FFFFFFF  }
0x98: {  	s19 =	sld [smem:$0x3FDB];
	_ =	sdelay $0x1  }
0x99: {  	s4 =	simm.s32 $_scs_section_size  }
0x9a: {  	s5 =	simm.s32 $_size__tile_overlayer_lowered;
	s6 =	simm.s32 $_tile_overlayer_lowered  }
0x9b: {  	s22 =	simm.s32 $0x1BFF;
	s21 =	sshll.u32 s6, $0x1;
	s3 =	sadd.s32 s4, s19  }
0x9c: {  	s7 =	simm.s32 $0x0;
	s20 =	sshll.u32 s5, $0x1;
	s5 =	sadd.s32 s21, s3  }
0x9d: {  	[timem:s7], [sflag:s22] =	dma.local [hbm:s5], s20  }
0x9e: {  	_ =	swait.ge [sflag:s22], s20  }
0x9f: {  	s4 =	ssub.s32 $0x0, s20;
	[sflag:s22] =	ssyncset.done $0x0  }
0xa0: {  	[sflag:s22] =	ssyncadd.s32 s4;
	_ =	sdelay $0x1  }
0xa1: {  	s23 =	simm.s32 $0x1B8B  }
0xa2: {  	_ =	swait.ge [sflag:s23], $0x1  }
0xa3: {  	[sflag:s23] =	ssyncset.done $0x0  }
0xa4: {  	s25 =	simm.s32 $0x1B8E;
	s24 =	sld [smem:$0x3FFE];
	[sflag:s23] =	ssyncadd.s32 $0xFFFFFFFF  }
0xa5: {  	s26 =	simm.s32 $execute0_lowered;
	[smem:$0x3FD2] =	sst s25  }
0xa6: {  	s5 =	sshll.u32 s26, $0x1;
	_ =	strace $0x80000049;
	[dreg:$0x1] =	wrdreg $0xFFFFFFFF  }
0xa7: {  	s28 =	simm.s32 $_size_execute0_lowered;
	s3 =	sadd.s32 s3, s5;
	[dreg:$0x0] =	wrdreg $0x0  }
0xa8: {  	s5 =	sshll.u32 s28, $0x1;
	[dreg:$0x2] =	wrdreg s3  }
0xa9: {  	[dreg:$0x3] =	wrdreg s5  }
0xaa: {  	[dreg:$0x4] =	wrdreg $0xC0  }
0xab: {  	_ =	task [dreg:s7], $0x5FFFF  }
0xac: {  	[dreg:$0x1] =	wrdreg $0xFFFFFFFF  }
0xad: {  	[dreg:$0x0] =	wrdreg $0x60  }
0xae: {  	[dreg:$0x2] =	wrdreg s24  }
0xaf: {  	[dreg:$0x3] =	wrdreg s2  }
0xb0: {  	[dreg:$0x4] =	wrdreg $0xA8000  }
0xb1: {  	[dreg:$0x5] =	wrdreg $0x9  }
0xb2: {  	_ =	task.clear_ibuf [dreg:s7], $0x6FFFF;
	_ =	strace $0x90000049  }
0xb3: {  	s29 =	simm.s32 $0x9;
	_ =	strace $0x8000004B  }
0xb4: {  	_ =	swait.ge [sflag:s29], $0x1  }
0xb5: {  	[sflag:s29] =	ssyncadd.s32 $0xFFFFFFFF  }
0xb6: {  	_ =	strace $0x9000004B  }
0xb7: {  	_ =	sfence  }
0xb8: {  	s30 =	sld [smem:$0x0];
	_ =	sdelay $0x2  }
0xb9: {  	s31 =	sshll.u32 s1, $0xD;
	s1 =	sshrl.u32 s1, $0x2  }
0xba: {  	s3 =	sand.u32 $0x4000, s31;
	s1 =	sadd.s32 s1, s30  }
0xbb: {  	s0 =	sor.u32 s3, s0;
	s1 =	sshll.u32 s1, $0x11  }
0xbc: {  	s0 =	sor.u32 s1, s0  }
0xbd: {  	s0 =	sadd.s32 $0x8F2B, s0  }
0xbe: {  	[sflag:s0] =	ssyncadd.remote.s32 $0x1  }
0xbf: {  	_ =	sfence.sel $0xFFFF  }
0xc0: {  	[dreg:$0x0] =	wrdreg $0xFFFFFFFF;
	(pc) =	sbr.abs _section_cstart, $3  }
0xc1: {  	[dreg:$0x1] =	wrdreg $0xFFFFFFFF  }
0xc2: {  	_ =	task.clear_ibuf [dreg:s7], $0x2FFFF;
	_ =	strace $0x9FFFFFFF  }
0xc3: {  	(tm) =	ssettm $0x7FFFFFFF  }
tec
execute0_lowered:
.L_overlay_start_1:
0x0: {  	(tag) =	ssettag $0x1  }
0x1: {  	s5 =	rddreg [dreg:$0x0]  }
0x2: {  	s9 =	rddreg [dreg:$0x1]  }
0x3: {  	s2 =	rddreg [dreg:$0x2]  }
0x4: {  	s0 =	rddreg [dreg:$0x3];
	s3 =	simm.s32 $0x0;
	s1 =	stileid.u32  }
0x5: {  	s4 =	srdreg.scid;
	s16 =	simm.s32 $0x80;
	s17 =	simm.s32 $0x2800  }
0x6: {  	s18 =	simm.s32 $0x6800;
	s19 =	simm.s32 $0x1;
	s20 =	simm.s32 $0x2  }
0x7: {  	s21 =	simm.s32 $0x1380;
	s22 =	simm.s32 $0x2700;
	s6 =	smul.u32 $0x13C00, s1  }
0x8: {  	s23 =	simm.s32 $0x2780;
	[smem:$0x7FF] =	sst s3;
	s11 =	smul.u32 $0x4F000, s1  }
0x9: {  	s7 =	sand.u32 $0x1, s4;
	s4 =	sadd.s32 $0x33000, s5;
	s13 =	smul.u32 $0x2800, s1  }
0xa: {  	s10 =	sadd.s32 $0x1800, s5;
	s30 =	sshll.u32 s1, $0x6;
	s8 =	smul.u32 $0x13C000, s7  }
0xb: {  	_ =	strace $0x8000004A;
	s24 =	smul.u32 $0x28000, s7;
	s7 =	ssub.s32 $0x2, s7  }
0xc: {  	s12 =	sshrl.u32 s6, $0x3;
	s25 =	sshrl.u32 s7, $0x1;
	s26 =	sshrl.u32 s11, $0x2  }
0xd: {  	s6 =	sadd.s32 s6, s8;
	s12 =	sadd.s32 s12, s5;
	s15 =	ssub.s32 s7, s25  }
0xe: {  	s28 =	sadd.s32 s13, s24;
	s29 =	sadd.s32 s26, s2;
	s24 =	simm.s32 $0x0  }
0xf: {  	s6 =	sshrl.u32 s6, $0x3;
	s8 =	sshrl.u32 s28, $0x3;
	s13 =	sshrl.u32 s29, $0x3  }
0x10: {  	s14 =	sadd.s32 s6, s5;
	s5 =	sadd.s32 $0xB800, s12;
	s6 =	sor.u32 $0x1C03, s30  }
0x11: {  	s31 =	sadd.s32 $0x280, s8;
	s7 =	sadd.s32 s9, s8;
	s8 =	sadd.s32 s10, s8  }
0x12: {  	s12 =	smax.u32 s15, $0x1;
	s15 =	simm.s32 $0x1400;
	s9 =	sadd.s32 s9, s31  }
0x13: {  	s10 =	sadd.s32 s10, s31;
	s11 =	sadd.s32 $0x5A200, s14;
	s14 =	simm.s32 $0x3  }
.LBB2_1:
0x14: {  	[spmem:s13], [sflag:s6] =	dma.local [hbm:s5], $0x2780  }
0x15: {  	_ =	swait.ge [sflag:s14], $0x2780  }
0x16: {  	[sflag:s14] =	ssyncset.done $0x0  }
0x17: {  	[sflag:s14] =	ssyncadd.s32 $0xFFFFD880  }
0x18: {  	[bflag:$0x0] =	sbarrier.arrive $0xFFFF  }
0x19: {  	[tilespmem:s3], [sflag:$0x3] =	stream.linear.gather [hbm4b:s7+s3], $0x1400, $0x38;
	[tilespmem:$0x1E400] =	vst v63  }
0x1a: {  	_ =	swait.ge [sflag:s14], $0x1400  }
0x1b: {  	[sflag:s14] =	ssyncset.done $0x0  }
0x1c: {  	[sflag:s14] =	ssyncadd.s32 $0xFFFFEC00  }
0x1d: {  	[tilespmem:s15], [sflag:$0x3] =	stream.linear.gather [hbm4b:s8+s3], $0x1400, $0x38;
	[tilespmem:$0x1E400] =	vst v63  }
0x1e: {  	_ =	swait.ge [sflag:s14], $0x1400  }
0x1f: {  	[sflag:s14] =	ssyncset.done $0x0  }
0x20: {  	[sflag:s14] =	ssyncadd.s32 $0xFFFFEC00  }
0x21: {  	[tilespmem:s17], [sflag:$0x1] =	stream.indirect.gather [hbm4b:s4+s16], $0x80, s3, s16, $0xb8;
	[tilespmem:$0x1E400] =	vst v63  }
0x22: {  	s25 =	simm.s32 $0x80  }
0x23: {  	[tilespmem:s18], [sflag:$0x2] =	stream.indirect.gather [hbm4b:s4+s16], $0x80, s25, s16, $0xb8;
	[tilespmem:$0x1E400] =	vst v63  }
0x24: {  	_ =	swait.ge [sflag:s19], $0x4000  }
0x25: {  	[sflag:s19] =	ssyncset.done $0x0  }
0x26: {  	s29 =	simm.s32 $0x1400;
	[sflag:s19] =	ssyncadd.s32 $0xFFFFC000  }
0x27: {  	[spmem:s2] =	stream.indirect.scatter.add.f32 [tilespmem:s17], [sflag:$0x3], $0x80, s29, s16, $0xb8;
	[tilespmem:$0x1E400] =	vst v63  }
0x28: {  	_ =	swait.ge [sflag:s14], $0x4000  }
0x29: {  	[sflag:s14] =	ssyncset.done $0x0  }
0x2a: {  	s30 =	simm.s32 $0x100;
	[sflag:s14] =	ssyncadd.s32 $0xFFFFC000  }
0x2b: {  	[tilespmem:s17], [sflag:$0x1] =	stream.indirect.gather [hbm4b:s4+s16], $0x80, s30, s16, $0xb8;
	[tilespmem:$0x1E400] =	vst v63  }
0x2c: {  	_ =	swait.ge [sflag:s20], $0x4000  }
0x2d: {  	[sflag:s20] =	ssyncset.done $0x0  }
0x2e: {  	s31 =	simm.s32 $0x1480;
	[sflag:s20] =	ssyncadd.s32 $0xFFFFC000  }
0x2f: {  	[spmem:s2] =	stream.indirect.scatter.add.f32 [tilespmem:s18], [sflag:$0x3], $0x80, s31, s16, $0xb8;
	[tilespmem:$0x1E400] =	vst v63  }
0x30: {  	_ =	swait.ge [sflag:s14], $0x4000  }
0x31: {  	s26 =	simm.s32 $0x800;
	s25 =	simm.s32 $0x100;
	[sflag:s14] =	ssyncset.done $0x0  }
.LBB2_2:
0x32: {  	s28 =	sadd.s32 $0x80, s25  }
0x33: {  	[sflag:s14] =	ssyncadd.s32 $0xFFFFC000;
	s29 =	smov.u32 s26;
	s30 =	sadd.s32 $0x400, s26  }
0x34: {  	[tilespmem:s18], [sflag:$0x2] =	stream.indirect.gather [hbm4b:s4+s16], $0x80, s28, s16, $0xb8;
	[tilespmem:$0x1E400] =	vst v63  }
0x35: {  	p0 =	sne.s32 s26, $0x4800;
	_ =	swait.ge [sflag:s19], $0x4000  }
0x36: {  	[sflag:s19] =	ssyncset.done $0x0  }
0x37: {  	s26 =	sadd.s32 $0x1400, s25;
	[sflag:s19] =	ssyncadd.s32 $0xFFFFC000  }
0x38: {  	[spmem:s2] =	stream.indirect.scatter.add.f32 [tilespmem:s17], [sflag:$0x3], $0x80, s26, s16, $0xb8;
	[tilespmem:$0x1E400] =	vst v63  }
0x39: {  	_ =	swait.ge [sflag:s14], $0x4000  }
0x3a: {  	[sflag:s14] =	ssyncset.done $0x0  }
0x3b: {  	s26 =	sadd.s32 $0x100, s25;
	[sflag:s14] =	ssyncadd.s32 $0xFFFFC000  }
0x3c: {  	[tilespmem:s17], [sflag:$0x1] =	stream.indirect.gather [hbm4b:s4+s16], $0x80, s26, s16, $0xb8;
	[tilespmem:$0x1E400] =	vst v63  }
0x3d: {  	_ =	swait.ge [sflag:s20], $0x4000  }
.Ltmp0:
0x3e: {  	[sflag:s20] =	ssyncset.done $0x0;
	(pc) =	sbr.rel @p0 .LBB2_2-.Ltmp0, $4  }
0x3f: {  	s25 =	sadd.s32 $0x1480, s25;
	[sflag:s20] =	ssyncadd.s32 $0xFFFFC000  }
0x40: {  	[spmem:s2] =	stream.indirect.scatter.add.f32 [tilespmem:s18], [sflag:$0x3], $0x80, s25, s16, $0xb8;
	[tilespmem:$0x1E400] =	vst v63  }
0x41: {  	_ =	swait.ge [sflag:s14], $0x4000  }
0x42: {  	s26 =	smov.u32 s30;
	s25 =	sshra.s32 s29, $0x2;
	[sflag:s14] =	ssyncset.done $0x0  }
0x43: {  	s26 =	sadd.s32 $0x80, s25;
	[sflag:s14] =	ssyncadd.s32 $0xFFFFC000  }
0x44: {  	[tilespmem:s18], [sflag:$0x2] =	stream.indirect.gather [hbm4b:s4+s16], $0x80, s26, s16, $0xb8;
	[tilespmem:$0x1E400] =	vst v63  }
0x45: {  	_ =	swait.ge [sflag:s19], $0x4000  }
0x46: {  	[sflag:s19] =	ssyncset.done $0x0  }
0x47: {  	s29 =	sadd.s32 $0x1400, s25;
	[sflag:s19] =	ssyncadd.s32 $0xFFFFC000  }
0x48: {  	[spmem:s2] =	stream.indirect.scatter.add.f32 [tilespmem:s17], [sflag:$0x3], $0x80, s29, s16, $0xb8;
	[tilespmem:$0x1E400] =	vst v63  }
0x49: {  	_ =	swait.ge [sflag:s14], $0x4000  }
0x4a: {  	[sflag:s14] =	ssyncset.done $0x0  }
0x4b: {  	s30 =	sadd.s32 $0x100, s25;
	[sflag:s14] =	ssyncadd.s32 $0xFFFFC000  }
0x4c: {  	[tilespmem:s17], [sflag:$0x1] =	stream.indirect.gather [hbm4b:s4+s16], $0x80, s30, s16, $0xb8;
	[tilespmem:$0x1E400] =	vst v63  }
0x4d: {  	_ =	swait.ge [sflag:s20], $0x4000  }
0x4e: {  	[sflag:s20] =	ssyncset.done $0x0  }
0x4f: {  	s31 =	sadd.s32 $0x1480, s25;
	[sflag:s20] =	ssyncadd.s32 $0xFFFFC000  }
0x50: {  	[spmem:s2] =	stream.indirect.scatter.add.f32 [tilespmem:s18], [sflag:$0x3], $0x80, s31, s16, $0xb8;
	[tilespmem:$0x1E400] =	vst v63  }
0x51: {  	_ =	swait.ge [sflag:s14], $0x4000  }
0x52: {  	[sflag:s14] =	ssyncset.done $0x0  }
0x53: {  	[sflag:s14] =	ssyncadd.s32 $0xFFFFC000  }
0x54: {  	[tilespmem:s18], [sflag:$0x2] =	stream.indirect.gather [hbm4b:s4+s16], $0x80, s21, s16, $0xb8;
	[tilespmem:$0x1E400] =	vst v63  }
0x55: {  	_ =	swait.ge [sflag:s19], $0x4000  }
0x56: {  	[sflag:s19] =	ssyncset.done $0x0  }
0x57: {  	[sflag:s19] =	ssyncadd.s32 $0xFFFFC000  }
0x58: {  	[spmem:s2] =	stream.indirect.scatter.add.f32 [tilespmem:s17], [sflag:$0x3], $0x80, s22, s16, $0xb8;
	[tilespmem:$0x1E400] =	vst v63  }
0x59: {  	_ =	swait.ge [sflag:s14], $0x4000  }
0x5a: {  	[sflag:s14] =	ssyncset.done $0x0  }
0x5b: {  	[sflag:s14] =	ssyncadd.s32 $0xFFFFC000  }
0x5c: {  	_ =	swait.ge [sflag:s20], $0x4000  }
0x5d: {  	[sflag:s20] =	ssyncset.done $0x0  }
0x5e: {  	[sflag:s20] =	ssyncadd.s32 $0xFFFFC000  }
0x5f: {  	[spmem:s2] =	stream.indirect.scatter.add.f32 [tilespmem:s18], [sflag:$0x3], $0x80, s23, s16, $0xb8;
	[tilespmem:$0x1E400] =	vst v63  }
0x60: {  	_ =	swait.ge [sflag:s14], $0x4000  }
0x61: {  	[sflag:s14] =	ssyncset.done $0x0  }
0x62: {  	s26 =	simm.s32 $0x0;
	[sflag:s14] =	ssyncadd.s32 $0xFFFFC000  }
0x63: {  	[tilespmem:s26], [sflag:$0x3] =	stream.linear.gather [hbm4b:s9+s26], $0x1400, $0x38;
	[tilespmem:$0x1E400] =	vst v63  }
0x64: {  	_ =	swait.ge [sflag:s14], $0x1400  }
0x65: {  	[sflag:s14] =	ssyncset.done $0x0  }
0x66: {  	[sflag:s14] =	ssyncadd.s32 $0xFFFFEC00  }
0x67: {  	[tilespmem:s15], [sflag:$0x3] =	stream.linear.gather [hbm4b:s10+s26], $0x1400, $0x38;
	[tilespmem:$0x1E400] =	vst v63  }
0x68: {  	_ =	swait.ge [sflag:s14], $0x1400  }
0x69: {  	[sflag:s14] =	ssyncset.done $0x0  }
0x6a: {  	[sflag:s14] =	ssyncadd.s32 $0xFFFFEC00  }
0x6b: {  	[tilespmem:s17], [sflag:$0x1] =	stream.indirect.gather [hbm4b:s4+s16], $0x80, s26, s16, $0xb8;
	[tilespmem:$0x1E400] =	vst v63  }
0x6c: {  	s28 =	simm.s32 $0x80  }
0x6d: {  	[tilespmem:s18], [sflag:$0x2] =	stream.indirect.gather [hbm4b:s4+s16], $0x80, s28, s16, $0xb8;
	[tilespmem:$0x1E400] =	vst v63  }
0x6e: {  	_ =	swait.ge [sflag:s19], $0x4000  }
0x6f: {  	[sflag:s19] =	ssyncset.done $0x0  }
0x70: {  	s29 =	simm.s32 $0x1400;
	[sflag:s19] =	ssyncadd.s32 $0xFFFFC000  }
0x71: {  	[spmem:s2] =	stream.indirect.scatter.add.f32 [tilespmem:s17], [sflag:$0x3], $0x80, s29, s16, $0xb8;
	[tilespmem:$0x1E400] =	vst v63  }
0x72: {  	_ =	swait.ge [sflag:s14], $0x4000  }
0x73: {  	[sflag:s14] =	ssyncset.done $0x0  }
0x74: {  	s30 =	simm.s32 $0x100;
	[sflag:s14] =	ssyncadd.s32 $0xFFFFC000  }
0x75: {  	[tilespmem:s17], [sflag:$0x1] =	stream.indirect.gather [hbm4b:s4+s16], $0x80, s30, s16, $0xb8;
	[tilespmem:$0x1E400] =	vst v63  }
0x76: {  	_ =	swait.ge [sflag:s20], $0x4000  }
0x77: {  	[sflag:s20] =	ssyncset.done $0x0  }
0x78: {  	s31 =	simm.s32 $0x1480;
	[sflag:s20] =	ssyncadd.s32 $0xFFFFC000  }
0x79: {  	[spmem:s2] =	stream.indirect.scatter.add.f32 [tilespmem:s18], [sflag:$0x3], $0x80, s31, s16, $0xb8;
	[tilespmem:$0x1E400] =	vst v63  }
0x7a: {  	_ =	swait.ge [sflag:s14], $0x4000  }
0x7b: {  	s25 =	simm.s32 $0x100;
	s26 =	simm.s32 $0x800;
	[sflag:s14] =	ssyncset.done $0x0  }
.LBB2_4:
0x7c: {  	s28 =	sadd.s32 $0x80, s25  }
0x7d: {  	[sflag:s14] =	ssyncadd.s32 $0xFFFFC000;
	s29 =	smov.u32 s26;
	s30 =	sadd.s32 $0x400, s26  }
0x7e: {  	[tilespmem:s18], [sflag:$0x2] =	stream.indirect.gather [hbm4b:s4+s16], $0x80, s28, s16, $0xb8;
	[tilespmem:$0x1E400] =	vst v63  }
0x7f: {  	p0 =	sne.s32 s26, $0x4800;
	_ =	swait.ge [sflag:s19], $0x4000  }
0x80: {  	[sflag:s19] =	ssyncset.done $0x0  }
0x81: {  	s26 =	sadd.s32 $0x1400, s25;
	[sflag:s19] =	ssyncadd.s32 $0xFFFFC000  }
0x82: {  	[spmem:s2] =	stream.indirect.scatter.add.f32 [tilespmem:s17], [sflag:$0x3], $0x80, s26, s16, $0xb8;
	[tilespmem:$0x1E400] =	vst v63  }
0x83: {  	_ =	swait.ge [sflag:s14], $0x4000  }
0x84: {  	[sflag:s14] =	ssyncset.done $0x0  }
0x85: {  	s26 =	sadd.s32 $0x100, s25;
	[sflag:s14] =	ssyncadd.s32 $0xFFFFC000  }
0x86: {  	[tilespmem:s17], [sflag:$0x1] =	stream.indirect.gather [hbm4b:s4+s16], $0x80, s26, s16, $0xb8;
	[tilespmem:$0x1E400] =	vst v63  }
0x87: {  	_ =	swait.ge [sflag:s20], $0x4000  }
.Ltmp1:
0x88: {  	[sflag:s20] =	ssyncset.done $0x0;
	(pc) =	sbr.rel @p0 .LBB2_4-.Ltmp1, $4  }
0x89: {  	s25 =	sadd.s32 $0x1480, s25;
	[sflag:s20] =	ssyncadd.s32 $0xFFFFC000  }
0x8a: {  	[spmem:s2] =	stream.indirect.scatter.add.f32 [tilespmem:s18], [sflag:$0x3], $0x80, s25, s16, $0xb8;
	[tilespmem:$0x1E400] =	vst v63  }
0x8b: {  	_ =	swait.ge [sflag:s14], $0x4000  }
0x8c: {  	s26 =	smov.u32 s30;
	s25 =	sshra.s32 s29, $0x2;
	[sflag:s14] =	ssyncset.done $0x0  }
0x8d: {  	s26 =	sadd.s32 $0x80, s25;
	[sflag:s14] =	ssyncadd.s32 $0xFFFFC000  }
0x8e: {  	[tilespmem:s18], [sflag:$0x2] =	stream.indirect.gather [hbm4b:s4+s16], $0x80, s26, s16, $0xb8;
	[tilespmem:$0x1E400] =	vst v63  }
0x8f: {  	_ =	swait.ge [sflag:s19], $0x4000  }
0x90: {  	[sflag:s19] =	ssyncset.done $0x0  }
0x91: {  	s29 =	sadd.s32 $0x1400, s25;
	[sflag:s19] =	ssyncadd.s32 $0xFFFFC000  }
0x92: {  	[spmem:s2] =	stream.indirect.scatter.add.f32 [tilespmem:s17], [sflag:$0x3], $0x80, s29, s16, $0xb8;
	[tilespmem:$0x1E400] =	vst v63  }
0x93: {  	_ =	swait.ge [sflag:s14], $0x4000  }
0x94: {  	[sflag:s14] =	ssyncset.done $0x0  }
0x95: {  	s30 =	sadd.s32 $0x100, s25;
	[sflag:s14] =	ssyncadd.s32 $0xFFFFC000  }
0x96: {  	[tilespmem:s17], [sflag:$0x1] =	stream.indirect.gather [hbm4b:s4+s16], $0x80, s30, s16, $0xb8;
	[tilespmem:$0x1E400] =	vst v63  }
0x97: {  	_ =	swait.ge [sflag:s20], $0x4000  }
0x98: {  	[sflag:s20] =	ssyncset.done $0x0  }
0x99: {  	s31 =	sadd.s32 $0x1480, s25;
	[sflag:s20] =	ssyncadd.s32 $0xFFFFC000  }
0x9a: {  	[spmem:s2] =	stream.indirect.scatter.add.f32 [tilespmem:s18], [sflag:$0x3], $0x80, s31, s16, $0xb8;
	[tilespmem:$0x1E400] =	vst v63  }
0x9b: {  	_ =	swait.ge [sflag:s14], $0x4000  }
0x9c: {  	[sflag:s14] =	ssyncset.done $0x0  }
0x9d: {  	[sflag:s14] =	ssyncadd.s32 $0xFFFFC000  }
0x9e: {  	[tilespmem:s18], [sflag:$0x2] =	stream.indirect.gather [hbm4b:s4+s16], $0x80, s21, s16, $0xb8;
	[tilespmem:$0x1E400] =	vst v63  }
0x9f: {  	_ =	swait.ge [sflag:s19], $0x4000  }
0xa0: {  	[sflag:s19] =	ssyncset.done $0x0  }
0xa1: {  	[sflag:s19] =	ssyncadd.s32 $0xFFFFC000  }
0xa2: {  	[spmem:s2] =	stream.indirect.scatter.add.f32 [tilespmem:s17], [sflag:$0x3], $0x80, s22, s16, $0xb8;
	[tilespmem:$0x1E400] =	vst v63  }
0xa3: {  	_ =	swait.ge [sflag:s14], $0x4000  }
0xa4: {  	[sflag:s14] =	ssyncset.done $0x0  }
0xa5: {  	[sflag:s14] =	ssyncadd.s32 $0xFFFFC000  }
0xa6: {  	_ =	swait.ge [sflag:s20], $0x4000  }
0xa7: {  	[sflag:s20] =	ssyncset.done $0x0  }
0xa8: {  	[sflag:s20] =	ssyncadd.s32 $0xFFFFC000  }
0xa9: {  	[spmem:s2] =	stream.indirect.scatter.add.f32 [tilespmem:s18], [sflag:$0x3], $0x80, s23, s16, $0xb8;
	[tilespmem:$0x1E400] =	vst v63  }
0xaa: {  	_ =	swait.ge [sflag:s14], $0x4000  }
0xab: {  	s24 =	sadd.s32 $0x1, s24;
	[sflag:s14] =	ssyncset.done $0x0  }
0xac: {  	p0 =	sne.s32 s24, s12;
	[sflag:s14] =	ssyncadd.s32 $0xFFFFC000  }
.Ltmp2:
0xad: {  	[bflag:$0x0] =	sbarrier.arrive $0xFFFF;
	(pc) =	sbr.rel @p0 .LBB2_1-.Ltmp2, $4  }
0xae: {  	[hbm:s11], [sflag:s6] =	dma.local [spmem:s13], $0x2780  }
0xaf: {  	_ =	swait.ge [sflag:s14], $0x2780  }
0xb0: {  	[sflag:s14] =	ssyncset.done $0x0  }
0xb1: {  	[sflag:s14] =	ssyncadd.s32 $0xFFFFD880  }
0xb2: {  	_ =	sfence.sel $0x180000  }
0xb3: {  	[bflag:$0x0] =	sbarrier.arrive $0xFFFF  }
0xb4: {  	p0 =	sne.s32 s1, $0x0;
	_ =	strace $0x9000004A  }
0xb5: {  	s0 =	sadd.s32 @!p0 $0x100000, s0;
	[bflag:$0x2] =	sbarrier.arrive $0xFFFF  }
0xb6: {  	[sflag:s0] =	ssyncadd.tile.s32 @!p0 $0x1;
	_ =	shalt  }
.Lfunc_end2:
_tile_overlayer_lowered:
.L_overlay_start_2:
0xb7: {  	(tag) =	ssettag $0x2  }
0xb8: {  	s0 =	rddreg [dreg:$0x0];
	s2 =	stileid.u32  }
0xb9: {  	s1 =	rddreg [dreg:$0x1];
	p0 =	sne.s32 s2, $0x0  }
0xba: {  	s3 =	rddreg [dreg:$0x2];
	[bflag:$0x3] =	sbarrier.arrive $0xFFFF;
	s2 =	simm.s32 @!p0 $0x1C03  }
0xbb: {  	[timem:s3], [sflag:s2] =	dma.local @!p0 [hbm:s0], s1  }
0xbc: {  	s0 =	simm.s32 @!p0 $0x3  }
0xbd: {  	_ =	swait.ge @!p0 [sflag:s0], s1  }
0xbe: {  	s1 =	ssub.s32 @!p0 $0x0, s1;
	[sflag:s0] =	ssyncset.done @!p0 $0x0  }
0xbf: {  	[sflag:s0] =	ssyncadd.s32 @!p0 s1  }
0xc0: {  	[bflag:$0x3] =	sbarrier.arrive $0xFFFF  }
0xc1: {  	_ =	shalt  }

</sc_bundles>
